<compile_context>
chip_gen: v7x
topology: tpu7x:2x2x1
jax: 0.10.2.dev20260603
libtpu: 0.0.44.dev20260713+nightly
codegen_flags: <defaults>
</compile_context>

<pallas_src>
import functools

import jax
import jax.numpy as jnp
from jax import lax
from jax.experimental import pallas as pl
from jax.experimental.pallas import tpu as pltpu
from jax.experimental.pallas import tpu_sc as plsc

_D = 128
_BS = 128
_NBUF = 6


def _sc_gather(weights, x):
    info = plsc.get_sparse_core_info()
    nw = info.num_cores * info.num_subcores
    ns, s = x.shape
    assert ns == nw * _BS
    n_chunks = s

    idx3 = x.T.reshape(s, nw, _BS).transpose(1, 0, 2)
    mesh = plsc.VectorSubcoreMesh(core_axis_name="c", subcore_axis_name="s")

    @functools.partial(
        pl.kernel,
        mesh=mesh,
        out_type=jax.ShapeDtypeStruct((s, ns, _D), jnp.float32),
        scratch_types=[
            pltpu.VMEM((n_chunks, _BS), jnp.int32),
            pltpu.VMEM((_NBUF, _BS, _D), jnp.float32),
        ] + [pltpu.SemaphoreType.DMA] * (2 * _NBUF),
    )
    def gather(table_hbm, idx_hbm, out_hbm, idx_v, rows_v, *sems):
        gs = sems[:_NBUF]
        osm = sems[_NBUF:]
        wid = lax.axis_index("s") * info.num_cores + lax.axis_index("c")
        base = wid * _BS
        pltpu.sync_copy(idx_hbm.at[wid], idx_v)

        def g_start(cc, b):
            pltpu.async_copy(
                table_hbm.at[idx_v.at[cc]], rows_v.at[b], gs[b])

        def g_wait(cc, b):
            pltpu.make_async_copy(
                table_hbm.at[idx_v.at[cc]], rows_v.at[b], gs[b]).wait()

        def o_start(cc, b):
            pltpu.async_copy(
                rows_v.at[b], out_hbm.at[cc, pl.ds(base, _BS)], osm[b])

        def o_wait(cc, b):
            pltpu.make_async_copy(
                rows_v.at[b], out_hbm.at[cc, pl.ds(base, _BS)], osm[b]).wait()

        def step(cc, b, pb, with_start, first=False):
            if not first:
                o_wait(cc - 1, pb)
            if with_start:
                g_start(cc + _NBUF - 1, pb)
            g_wait(cc, b)
            o_start(cc, b)

        for c in range(_NBUF - 1):
            g_start(c, c)
        step(0, 0, _NBUF - 1, with_start=True, first=True)

        tail_len = _NBUF + 1
        n_dyn = n_chunks - 1 - tail_len
        n_main = n_dyn // _NBUF

        def body(o, carry):
            c0 = 1 + _NBUF * o
            for db in range(_NBUF):
                step(c0 + db, (1 + db) % _NBUF, db % _NBUF, with_start=True)
            return carry

        lax.fori_loop(0, n_main, body, 0, unroll=False)
        for cc in range(1 + _NBUF * n_main, n_chunks - tail_len):
            step(cc, cc % _NBUF, (cc - 1) % _NBUF, with_start=True)

        for cc in range(n_chunks - tail_len, n_chunks):
            step(cc, cc % _NBUF, (cc - 1) % _NBUF,
                 with_start=(cc + _NBUF - 1 < n_chunks))
        o_wait(n_chunks - 1, (n_chunks - 1) % _NBUF)

    return gather(weights, idx3)


def kernel(x, weights):
    out = _sc_gather(weights, x.astype(jnp.int32))
    return out.transpose(1, 0, 2)

# --- scband reference (transcript-rebuilt; emitter-appended) ---
"""Pipeline reference for scband-embedding-76244259439163 (READ-ONLY COPY).

The authoritative reference and input builder live on the scoring server;
editing this copy changes nothing except your own understanding.
"""

import jax, jax.numpy as jnp
import numpy as np

NUM_EMBEDDINGS = 100000
EMBEDDING_DIM = 128

def setup_inputs(seed: int = 0) -> dict:
    key = jax.random.key(seed)
    k_idx, k_w = jax.random.split(key)
    x = jax.random.randint(k_idx, (4096, 50), 0, NUM_EMBEDDINGS, dtype=jnp.int64 if jax.config.jax_enable_x64 else jnp.int32)
    # weights ~ N(0,1) truncated to [-3, 3], matching norm_init_params(mean=0, std=1, -3, 3)
    w = jax.random.truncated_normal(k_w, -3.0, 3.0, (NUM_EMBEDDINGS, EMBEDDING_DIM), dtype=jnp.float32)
    return {"x": x, "weights": w}

def reference(x, weights):
    # embeddings[i][j] = weights[x[i][j]]  -> gather along axis 0
    embeddings = jnp.take(weights, x, axis=0)
    return embeddings

if __name__ == "__main__":
    import jax
    _d = setup_inputs()
    print(jax.jit(kernel)(*tuple(_d.values())))

</pallas_src>

<mosaic_0001>
#map = affine_map<(d0, d1) -> (0, 0)>
#map1 = affine_map<(d0, d1) -> (0, 0, 0)>
module attributes {stable_mosaic.version = 14 : i64} {
  func.func @gather(%arg0: i32, %arg1: i32, %arg2: memref<100000x128xf32, #tpu.memory_space<hbm>>, %arg3: memref<32x50x128xi32, #tpu.memory_space<hbm>>, %arg4: memref<50x4096x128xf32, #tpu.memory_space<hbm>>, %arg5: memref<50x128xi32, #tpu.memory_space<vmem>>, %arg6: memref<6x128x128xf32, #tpu.memory_space<vmem>>, %arg7: memref<!tpu.dma_semaphore, #tpu.memory_space<semaphore_mem>>, %arg8: memref<!tpu.dma_semaphore, #tpu.memory_space<semaphore_mem>>, %arg9: memref<!tpu.dma_semaphore, #tpu.memory_space<semaphore_mem>>, %arg10: memref<!tpu.dma_semaphore, #tpu.memory_space<semaphore_mem>>, %arg11: memref<!tpu.dma_semaphore, #tpu.memory_space<semaphore_mem>>, %arg12: memref<!tpu.dma_semaphore, #tpu.memory_space<semaphore_mem>>, %arg13: memref<!tpu.dma_semaphore, #tpu.memory_space<semaphore_mem>>, %arg14: memref<!tpu.dma_semaphore, #tpu.memory_space<semaphore_mem>>, %arg15: memref<!tpu.dma_semaphore, #tpu.memory_space<semaphore_mem>>, %arg16: memref<!tpu.dma_semaphore, #tpu.memory_space<semaphore_mem>>, %arg17: memref<!tpu.dma_semaphore, #tpu.memory_space<semaphore_mem>>, %arg18: memref<!tpu.dma_semaphore, #tpu.memory_space<semaphore_mem>>) attributes {dimension_semantics = [#tpu.dimension_semantics<core_parallel>, #tpu.dimension_semantics<subcore_parallel>], iteration_bounds = array<i64: 2, 16>, scalar_prefetch = 0 : i64, scratch_operands = 14 : i64, tpu.core_type = #tpu.core_type<sc_vector_subcore>, window_params = [{transform_indices = #map}, {transform_indices = #map1}, {transform_indices = #map1}]} {
    %mul3A = arith.constant 2 : i32
    %mul3A_0 = arith.muli %arg1, %mul3A : i32
    %add3A = arith.addi %mul3A_0, %arg0 : i32
    %mul3A_1 = arith.constant 128 : i32
    %mul3A_2 = arith.muli %add3A, %mul3A_1 : i32
    "tpu.region"() ({
      %run_scoped3A = tpu.sem_alloc : memref<!tpu.dma_semaphore, #tpu.memory_space<semaphore_mem>>
      %dma_start3A_454 = arith.constant 0 : i32
      %dma_start3A_455 = arith.constant 0 : i32
      %dma_start3A_456 = tpu.memref_slice %arg3[%add3A, %dma_start3A_454, %dma_start3A_455] : memref<32x50x128xi32, #tpu.memory_space<hbm>> -> memref<1x50x128xi32, #tpu.memory_space<hbm>>
      %dma_start3A_457 = tpu.memref_squeeze %dma_start3A_456 : memref<1x50x128xi32, #tpu.memory_space<hbm>> -> memref<50x128xi32, #tpu.memory_space<hbm>>
      %dma_start3A_458 = arith.constant 0 : i32
      %dma_start3A_459 = arith.constant 0 : i32
      %dma_start3A_460 = tpu.memref_slice %arg3[%add3A, %dma_start3A_458, %dma_start3A_459] : memref<32x50x128xi32, #tpu.memory_space<hbm>> -> memref<1x50x128xi32, #tpu.memory_space<hbm>>
      %dma_start3A_461 = tpu.memref_squeeze %dma_start3A_460 : memref<1x50x128xi32, #tpu.memory_space<hbm>> -> memref<50x128xi32, #tpu.memory_space<hbm>>
      tpu.enqueue_dma source(%dma_start3A_461 : memref<50x128xi32, #tpu.memory_space<hbm>>) target(%arg5 : memref<50x128xi32, #tpu.memory_space<vmem>>) target_semaphore(%run_scoped3A : memref<!tpu.dma_semaphore, #tpu.memory_space<semaphore_mem>>)
      %dma_wait3A_462 = arith.constant 0 : i32
      %dma_wait3A_463 = arith.constant 0 : i32
      %dma_wait3A_464 = tpu.memref_slice %arg3[%add3A, %dma_wait3A_462, %dma_wait3A_463] : memref<32x50x128xi32, #tpu.memory_space<hbm>> -> memref<1x50x128xi32, #tpu.memory_space<hbm>>
      %dma_wait3A_465 = tpu.memref_squeeze %dma_wait3A_464 : memref<1x50x128xi32, #tpu.memory_space<hbm>> -> memref<50x128xi32, #tpu.memory_space<hbm>>
      %dma_wait3A_466 = arith.constant 0 : i32
      %dma_wait3A_467 = arith.constant 0 : i32
      %dma_wait3A_468 = tpu.memref_slice %arg3[%add3A, %dma_wait3A_466, %dma_wait3A_467] : memref<32x50x128xi32, #tpu.memory_space<hbm>> -> memref<1x50x128xi32, #tpu.memory_space<hbm>>
      %dma_wait3A_469 = tpu.memref_squeeze %dma_wait3A_468 : memref<1x50x128xi32, #tpu.memory_space<hbm>> -> memref<50x128xi32, #tpu.memory_space<hbm>>
      tpu.wait_dma2 semaphore(%run_scoped3A : memref<!tpu.dma_semaphore, #tpu.memory_space<semaphore_mem>>) src(%dma_wait3A_469 : memref<50x128xi32, #tpu.memory_space<hbm>>) dst(%arg5 : memref<50x128xi32, #tpu.memory_space<vmem>>)
      tpu.yield
    }) : () -> ()
    %dma_start3A = arith.constant 0 : i32
    %dma_start3A_3 = arith.constant 0 : i32
    %dma_start3A_4 = arith.constant 0 : i32
    %dma_start3A_5 = arith.constant 0 : i32
    %dma_start3A_6 = tpu.memref_slice %arg6[%dma_start3A_3, %dma_start3A_4, %dma_start3A_5] : memref<6x128x128xf32, #tpu.memory_space<vmem>> -> memref<1x128x128xf32, #tpu.memory_space<vmem>>
    %dma_start3A_7 = tpu.memref_squeeze %dma_start3A_6 : memref<1x128x128xf32, #tpu.memory_space<vmem>> -> memref<128x128xf32, #tpu.memory_space<vmem>>
    %dma_start3A_8 = arith.constant 0 : i32
    %dma_start3A_9 = tpu.memref_slice %arg5[%dma_start3A, %dma_start3A_8] : memref<50x128xi32, #tpu.memory_space<vmem>> -> memref<1x128xi32, #tpu.memory_space<vmem>>
    %dma_start3A_10 = tpu.memref_squeeze %dma_start3A_9 : memref<1x128xi32, #tpu.memory_space<vmem>> -> memref<128xi32, #tpu.memory_space<vmem>>
    %dma_start3A_11 = arith.constant 0 : i32
    %dma_start3A_12 = arith.constant 0 : i32
    %dma_start3A_13 = tpu.memref_slice %arg2[%dma_start3A_11, %dma_start3A_12] : memref<100000x128xf32, #tpu.memory_space<hbm>> -> memref<100000x128xf32, #tpu.memory_space<hbm>>
    tpu.enqueue_indirect_dma source(%dma_start3A_13 : memref<100000x128xf32, #tpu.memory_space<hbm>>) target(%dma_start3A_7 : memref<128x128xf32, #tpu.memory_space<vmem>>) offsets(%dma_start3A_10 : memref<128xi32, #tpu.memory_space<vmem>>) semaphore(%arg7 : memref<!tpu.dma_semaphore, #tpu.memory_space<semaphore_mem>>)
    %dma_start3A_14 = arith.constant 1 : i32
    %dma_start3A_15 = arith.constant 1 : i32
    %dma_start3A_16 = arith.constant 0 : i32
    %dma_start3A_17 = arith.constant 0 : i32
    %dma_start3A_18 = tpu.memref_slice %arg6[%dma_start3A_15, %dma_start3A_16, %dma_start3A_17] : memref<6x128x128xf32, #tpu.memory_space<vmem>> -> memref<1x128x128xf32, #tpu.memory_space<vmem>>
    %dma_start3A_19 = tpu.memref_squeeze %dma_start3A_18 : memref<1x128x128xf32, #tpu.memory_space<vmem>> -> memref<128x128xf32, #tpu.memory_space<vmem>>
    %dma_start3A_20 = arith.constant 0 : i32
    %dma_start3A_21 = tpu.memref_slice %arg5[%dma_start3A_14, %dma_start3A_20] : memref<50x128xi32, #tpu.memory_space<vmem>> -> memref<1x128xi32, #tpu.memory_space<vmem>>
    %dma_start3A_22 = tpu.memref_squeeze %dma_start3A_21 : memref<1x128xi32, #tpu.memory_space<vmem>> -> memref<128xi32, #tpu.memory_space<vmem>>
    %dma_start3A_23 = arith.constant 0 : i32
    %dma_start3A_24 = arith.constant 0 : i32
    %dma_start3A_25 = tpu.memref_slice %arg2[%dma_start3A_23, %dma_start3A_24] : memref<100000x128xf32, #tpu.memory_space<hbm>> -> memref<100000x128xf32, #tpu.memory_space<hbm>>
    tpu.enqueue_indirect_dma source(%dma_start3A_25 : memref<100000x128xf32, #tpu.memory_space<hbm>>) target(%dma_start3A_19 : memref<128x128xf32, #tpu.memory_space<vmem>>) offsets(%dma_start3A_22 : memref<128xi32, #tpu.memory_space<vmem>>) semaphore(%arg8 : memref<!tpu.dma_semaphore, #tpu.memory_space<semaphore_mem>>)
    %dma_start3A_26 = arith.constant 2 : i32
    %dma_start3A_27 = arith.constant 2 : i32
    %dma_start3A_28 = arith.constant 0 : i32
    %dma_start3A_29 = arith.constant 0 : i32
    %dma_start3A_30 = tpu.memref_slice %arg6[%dma_start3A_27, %dma_start3A_28, %dma_start3A_29] : memref<6x128x128xf32, #tpu.memory_space<vmem>> -> memref<1x128x128xf32, #tpu.memory_space<vmem>>
    %dma_start3A_31 = tpu.memref_squeeze %dma_start3A_30 : memref<1x128x128xf32, #tpu.memory_space<vmem>> -> memref<128x128xf32, #tpu.memory_space<vmem>>
    %dma_start3A_32 = arith.constant 0 : i32
    %dma_start3A_33 = tpu.memref_slice %arg5[%dma_start3A_26, %dma_start3A_32] : memref<50x128xi32, #tpu.memory_space<vmem>> -> memref<1x128xi32, #tpu.memory_space<vmem>>
    %dma_start3A_34 = tpu.memref_squeeze %dma_start3A_33 : memref<1x128xi32, #tpu.memory_space<vmem>> -> memref<128xi32, #tpu.memory_space<vmem>>
    %dma_start3A_35 = arith.constant 0 : i32
    %dma_start3A_36 = arith.constant 0 : i32
    %dma_start3A_37 = tpu.memref_slice %arg2[%dma_start3A_35, %dma_start3A_36] : memref<100000x128xf32, #tpu.memory_space<hbm>> -> memref<100000x128xf32, #tpu.memory_space<hbm>>
    tpu.enqueue_indirect_dma source(%dma_start3A_37 : memref<100000x128xf32, #tpu.memory_space<hbm>>) target(%dma_start3A_31 : memref<128x128xf32, #tpu.memory_space<vmem>>) offsets(%dma_start3A_34 : memref<128xi32, #tpu.memory_space<vmem>>) semaphore(%arg9 : memref<!tpu.dma_semaphore, #tpu.memory_space<semaphore_mem>>)
    %dma_start3A_38 = arith.constant 3 : i32
    %dma_start3A_39 = arith.constant 3 : i32
    %dma_start3A_40 = arith.constant 0 : i32
    %dma_start3A_41 = arith.constant 0 : i32
    %dma_start3A_42 = tpu.memref_slice %arg6[%dma_start3A_39, %dma_start3A_40, %dma_start3A_41] : memref<6x128x128xf32, #tpu.memory_space<vmem>> -> memref<1x128x128xf32, #tpu.memory_space<vmem>>
    %dma_start3A_43 = tpu.memref_squeeze %dma_start3A_42 : memref<1x128x128xf32, #tpu.memory_space<vmem>> -> memref<128x128xf32, #tpu.memory_space<vmem>>
    %dma_start3A_44 = arith.constant 0 : i32
    %dma_start3A_45 = tpu.memref_slice %arg5[%dma_start3A_38, %dma_start3A_44] : memref<50x128xi32, #tpu.memory_space<vmem>> -> memref<1x128xi32, #tpu.memory_space<vmem>>
    %dma_start3A_46 = tpu.memref_squeeze %dma_start3A_45 : memref<1x128xi32, #tpu.memory_space<vmem>> -> memref<128xi32, #tpu.memory_space<vmem>>
    %dma_start3A_47 = arith.constant 0 : i32
    %dma_start3A_48 = arith.constant 0 : i32
    %dma_start3A_49 = tpu.memref_slice %arg2[%dma_start3A_47, %dma_start3A_48] : memref<100000x128xf32, #tpu.memory_space<hbm>> -> memref<100000x128xf32, #tpu.memory_space<hbm>>
    tpu.enqueue_indirect_dma source(%dma_start3A_49 : memref<100000x128xf32, #tpu.memory_space<hbm>>) target(%dma_start3A_43 : memref<128x128xf32, #tpu.memory_space<vmem>>) offsets(%dma_start3A_46 : memref<128xi32, #tpu.memory_space<vmem>>) semaphore(%arg10 : memref<!tpu.dma_semaphore, #tpu.memory_space<semaphore_mem>>)
    %dma_start3A_50 = arith.constant 4 : i32
    %dma_start3A_51 = arith.constant 4 : i32
    %dma_start3A_52 = arith.constant 0 : i32
    %dma_start3A_53 = arith.constant 0 : i32
    %dma_start3A_54 = tpu.memref_slice %arg6[%dma_start3A_51, %dma_start3A_52, %dma_start3A_53] : memref<6x128x128xf32, #tpu.memory_space<vmem>> -> memref<1x128x128xf32, #tpu.memory_space<vmem>>
    %dma_start3A_55 = tpu.memref_squeeze %dma_start3A_54 : memref<1x128x128xf32, #tpu.memory_space<vmem>> -> memref<128x128xf32, #tpu.memory_space<vmem>>
    %dma_start3A_56 = arith.constant 0 : i32
    %dma_start3A_57 = tpu.memref_slice %arg5[%dma_start3A_50, %dma_start3A_56] : memref<50x128xi32, #tpu.memory_space<vmem>> -> memref<1x128xi32, #tpu.memory_space<vmem>>
    %dma_start3A_58 = tpu.memref_squeeze %dma_start3A_57 : memref<1x128xi32, #tpu.memory_space<vmem>> -> memref<128xi32, #tpu.memory_space<vmem>>
    %dma_start3A_59 = arith.constant 0 : i32
    %dma_start3A_60 = arith.constant 0 : i32
    %dma_start3A_61 = tpu.memref_slice %arg2[%dma_start3A_59, %dma_start3A_60] : memref<100000x128xf32, #tpu.memory_space<hbm>> -> memref<100000x128xf32, #tpu.memory_space<hbm>>
    tpu.enqueue_indirect_dma source(%dma_start3A_61 : memref<100000x128xf32, #tpu.memory_space<hbm>>) target(%dma_start3A_55 : memref<128x128xf32, #tpu.memory_space<vmem>>) offsets(%dma_start3A_58 : memref<128xi32, #tpu.memory_space<vmem>>) semaphore(%arg11 : memref<!tpu.dma_semaphore, #tpu.memory_space<semaphore_mem>>)
    %dma_start3A_62 = arith.constant 5 : i32
    %dma_start3A_63 = arith.constant 5 : i32
    %dma_start3A_64 = arith.constant 0 : i32
    %dma_start3A_65 = arith.constant 0 : i32
    %dma_start3A_66 = tpu.memref_slice %arg6[%dma_start3A_63, %dma_start3A_64, %dma_start3A_65] : memref<6x128x128xf32, #tpu.memory_space<vmem>> -> memref<1x128x128xf32, #tpu.memory_space<vmem>>
    %dma_start3A_67 = tpu.memref_squeeze %dma_start3A_66 : memref<1x128x128xf32, #tpu.memory_space<vmem>> -> memref<128x128xf32, #tpu.memory_space<vmem>>
    %dma_start3A_68 = arith.constant 0 : i32
    %dma_start3A_69 = tpu.memref_slice %arg5[%dma_start3A_62, %dma_start3A_68] : memref<50x128xi32, #tpu.memory_space<vmem>> -> memref<1x128xi32, #tpu.memory_space<vmem>>
    %dma_start3A_70 = tpu.memref_squeeze %dma_start3A_69 : memref<1x128xi32, #tpu.memory_space<vmem>> -> memref<128xi32, #tpu.memory_space<vmem>>
    %dma_start3A_71 = arith.constant 0 : i32
    %dma_start3A_72 = arith.constant 0 : i32
    %dma_start3A_73 = tpu.memref_slice %arg2[%dma_start3A_71, %dma_start3A_72] : memref<100000x128xf32, #tpu.memory_space<hbm>> -> memref<100000x128xf32, #tpu.memory_space<hbm>>
    tpu.enqueue_indirect_dma source(%dma_start3A_73 : memref<100000x128xf32, #tpu.memory_space<hbm>>) target(%dma_start3A_67 : memref<128x128xf32, #tpu.memory_space<vmem>>) offsets(%dma_start3A_70 : memref<128xi32, #tpu.memory_space<vmem>>) semaphore(%arg12 : memref<!tpu.dma_semaphore, #tpu.memory_space<semaphore_mem>>)
    %dma_wait3A = arith.constant 0 : i32
    %dma_wait3A_74 = arith.constant 0 : i32
    %dma_wait3A_75 = arith.constant 0 : i32
    %dma_wait3A_76 = arith.constant 0 : i32
    %dma_wait3A_77 = tpu.memref_slice %arg6[%dma_wait3A_74, %dma_wait3A_75, %dma_wait3A_76] : memref<6x128x128xf32, #tpu.memory_space<vmem>> -> memref<1x128x128xf32, #tpu.memory_space<vmem>>
    %dma_wait3A_78 = tpu.memref_squeeze %dma_wait3A_77 : memref<1x128x128xf32, #tpu.memory_space<vmem>> -> memref<128x128xf32, #tpu.memory_space<vmem>>
    %dma_wait3A_79 = arith.constant 0 : i32
    %dma_wait3A_80 = tpu.memref_slice %arg5[%dma_wait3A, %dma_wait3A_79] : memref<50x128xi32, #tpu.memory_space<vmem>> -> memref<1x128xi32, #tpu.memory_space<vmem>>
    %dma_wait3A_81 = tpu.memref_squeeze %dma_wait3A_80 : memref<1x128xi32, #tpu.memory_space<vmem>> -> memref<128xi32, #tpu.memory_space<vmem>>
    %dma_wait3A_82 = arith.constant 0 : i32
    %dma_wait3A_83 = arith.constant 0 : i32
    %dma_wait3A_84 = tpu.memref_slice %arg2[%dma_wait3A_82, %dma_wait3A_83] : memref<100000x128xf32, #tpu.memory_space<hbm>> -> memref<100000x128xf32, #tpu.memory_space<hbm>>
    tpu.wait_indirect_dma semaphore(%arg7 : memref<!tpu.dma_semaphore, #tpu.memory_space<semaphore_mem>>) src(%dma_wait3A_84 : memref<100000x128xf32, #tpu.memory_space<hbm>>) dst(%dma_wait3A_78 : memref<128x128xf32, #tpu.memory_space<vmem>>)
    %dma_start3A_85 = arith.constant 0 : i32
    %dma_start3A_86 = arith.constant 0 : i32
    %dma_start3A_87 = arith.constant 0 : i32
    %dma_start3A_88 = arith.constant 0 : i32
    %dma_start3A_89 = tpu.memref_slice %arg6[%dma_start3A_85, %dma_start3A_87, %dma_start3A_88] : memref<6x128x128xf32, #tpu.memory_space<vmem>> -> memref<1x128x128xf32, #tpu.memory_space<vmem>>
    %dma_start3A_90 = tpu.memref_squeeze %dma_start3A_89 : memref<1x128x128xf32, #tpu.memory_space<vmem>> -> memref<128x128xf32, #tpu.memory_space<vmem>>
    %dma_start3A_91 = arith.constant 0 : i32
    %dma_start3A_92 = tpu.memref_slice %arg4[%dma_start3A_86, %mul3A_2, %dma_start3A_91] : memref<50x4096x128xf32, #tpu.memory_space<hbm>> -> memref<1x128x128xf32, #tpu.memory_space<hbm>>
    %dma_start3A_93 = tpu.memref_squeeze %dma_start3A_92 : memref<1x128x128xf32, #tpu.memory_space<hbm>> -> memref<128x128xf32, #tpu.memory_space<hbm>>
    %dma_start3A_94 = arith.constant 0 : i32
    %dma_start3A_95 = tpu.memref_slice %arg4[%dma_start3A_86, %mul3A_2, %dma_start3A_94] : memref<50x4096x128xf32, #tpu.memory_space<hbm>> -> memref<1x128x128xf32, #tpu.memory_space<hbm>>
    %dma_start3A_96 = tpu.memref_squeeze %dma_start3A_95 : memref<1x128x128xf32, #tpu.memory_space<hbm>> -> memref<128x128xf32, #tpu.memory_space<hbm>>
    %dma_start3A_97 = arith.constant 0 : i32
    %dma_start3A_98 = arith.constant 0 : i32
    %dma_start3A_99 = tpu.memref_slice %arg6[%dma_start3A_85, %dma_start3A_97, %dma_start3A_98] : memref<6x128x128xf32, #tpu.memory_space<vmem>> -> memref<1x128x128xf32, #tpu.memory_space<vmem>>
    %dma_start3A_100 = tpu.memref_squeeze %dma_start3A_99 : memref<1x128x128xf32, #tpu.memory_space<vmem>> -> memref<128x128xf32, #tpu.memory_space<vmem>>
    tpu.enqueue_dma source(%dma_start3A_100 : memref<128x128xf32, #tpu.memory_space<vmem>>) target(%dma_start3A_96 : memref<128x128xf32, #tpu.memory_space<hbm>>) target_semaphore(%arg13 : memref<!tpu.dma_semaphore, #tpu.memory_space<semaphore_mem>>)
    %scan3A = arith.constant 0 : i32
    %scan3A_101 = arith.constant 0 : i32
    %scan3A_102 = arith.constant 7 : i32
    %scan3A_103 = arith.addi %scan3A_101, %scan3A_102 : i32
    %scan3A_104 = arith.constant 1 : i32
    scf.for %scan3A_454 = %scan3A_101 to %scan3A_103 step %scan3A_104  : i32 {
      %mul3A_455 = arith.constant 6 : i32
      %mul3A_456 = arith.muli %mul3A_455, %scan3A_454 : i32
      %add3A_457 = arith.constant 1 : i32
      %add3A_458 = arith.addi %add3A_457, %mul3A_456 : i32
      %add3A_459 = arith.constant 0 : i32
      %add3A_460 = arith.addi %add3A_458, %add3A_459 : i32
      %sub3A = arith.constant 1 : i32
      %sub3A_461 = arith.subi %add3A_460, %sub3A : i32
      %dma_wait3A_462 = arith.constant 0 : i32
      %dma_wait3A_463 = arith.constant 0 : i32
      %dma_wait3A_464 = arith.constant 0 : i32
      %dma_wait3A_465 = tpu.memref_slice %arg6[%dma_wait3A_462, %dma_wait3A_463, %dma_wait3A_464] : memref<6x128x128xf32, #tpu.memory_space<vmem>> -> memref<1x128x128xf32, #tpu.memory_space<vmem>>
      %dma_wait3A_466 = tpu.memref_squeeze %dma_wait3A_465 : memref<1x128x128xf32, #tpu.memory_space<vmem>> -> memref<128x128xf32, #tpu.memory_space<vmem>>
      %dma_wait3A_467 = arith.constant 0 : i32
      %dma_wait3A_468 = tpu.memref_slice %arg4[%sub3A_461, %mul3A_2, %dma_wait3A_467] : memref<50x4096x128xf32, #tpu.memory_space<hbm>> -> memref<1x128x128xf32, #tpu.memory_space<hbm>>
      %dma_wait3A_469 = tpu.memref_squeeze %dma_wait3A_468 : memref<1x128x128xf32, #tpu.memory_space<hbm>> -> memref<128x128xf32, #tpu.memory_space<hbm>>
      %dma_wait3A_470 = arith.constant 0 : i32
      %dma_wait3A_471 = tpu.memref_slice %arg4[%sub3A_461, %mul3A_2, %dma_wait3A_470] : memref<50x4096x128xf32, #tpu.memory_space<hbm>> -> memref<1x128x128xf32, #tpu.memory_space<hbm>>
      %dma_wait3A_472 = tpu.memref_squeeze %dma_wait3A_471 : memref<1x128x128xf32, #tpu.memory_space<hbm>> -> memref<128x128xf32, #tpu.memory_space<hbm>>
      %dma_wait3A_473 = arith.constant 0 : i32
      %dma_wait3A_474 = arith.constant 0 : i32
      %dma_wait3A_475 = tpu.memref_slice %arg6[%dma_wait3A_462, %dma_wait3A_473, %dma_wait3A_474] : memref<6x128x128xf32, #tpu.memory_space<vmem>> -> memref<1x128x128xf32, #tpu.memory_space<vmem>>
      %dma_wait3A_476 = tpu.memref_squeeze %dma_wait3A_475 : memref<1x128x128xf32, #tpu.memory_space<vmem>> -> memref<128x128xf32, #tpu.memory_space<vmem>>
      tpu.wait_dma2 semaphore(%arg13 : memref<!tpu.dma_semaphore, #tpu.memory_space<semaphore_mem>>) src(%dma_wait3A_476 : memref<128x128xf32, #tpu.memory_space<vmem>>) dst(%dma_wait3A_472 : memref<128x128xf32, #tpu.memory_space<hbm>>)
      %add3A_477 = arith.constant 6 : i32
      %add3A_478 = arith.addi %add3A_460, %add3A_477 : i32
      %sub3A_479 = arith.constant 1 : i32
      %sub3A_480 = arith.subi %add3A_478, %sub3A_479 : i32
      %dma_start3A_481 = arith.constant 0 : i32
      %dma_start3A_482 = arith.constant 0 : i32
      %dma_start3A_483 = arith.constant 0 : i32
      %dma_start3A_484 = tpu.memref_slice %arg6[%dma_start3A_481, %dma_start3A_482, %dma_start3A_483] : memref<6x128x128xf32, #tpu.memory_space<vmem>> -> memref<1x128x128xf32, #tpu.memory_space<vmem>>
      %dma_start3A_485 = tpu.memref_squeeze %dma_start3A_484 : memref<1x128x128xf32, #tpu.memory_space<vmem>> -> memref<128x128xf32, #tpu.memory_space<vmem>>
      %dma_start3A_486 = arith.constant 0 : i32
      %dma_start3A_487 = tpu.memref_slice %arg5[%sub3A_480, %dma_start3A_486] : memref<50x128xi32, #tpu.memory_space<vmem>> -> memref<1x128xi32, #tpu.memory_space<vmem>>
      %dma_start3A_488 = tpu.memref_squeeze %dma_start3A_487 : memref<1x128xi32, #tpu.memory_space<vmem>> -> memref<128xi32, #tpu.memory_space<vmem>>
      %dma_start3A_489 = arith.constant 0 : i32
      %dma_start3A_490 = arith.constant 0 : i32
      %dma_start3A_491 = tpu.memref_slice %arg2[%dma_start3A_489, %dma_start3A_490] : memref<100000x128xf32, #tpu.memory_space<hbm>> -> memref<100000x128xf32, #tpu.memory_space<hbm>>
      tpu.enqueue_indirect_dma source(%dma_start3A_491 : memref<100000x128xf32, #tpu.memory_space<hbm>>) target(%dma_start3A_485 : memref<128x128xf32, #tpu.memory_space<vmem>>) offsets(%dma_start3A_488 : memref<128xi32, #tpu.memory_space<vmem>>) semaphore(%arg7 : memref<!tpu.dma_semaphore, #tpu.memory_space<semaphore_mem>>)
      %dma_wait3A_492 = arith.constant 1 : i32
      %dma_wait3A_493 = arith.constant 0 : i32
      %dma_wait3A_494 = arith.constant 0 : i32
      %dma_wait3A_495 = tpu.memref_slice %arg6[%dma_wait3A_492, %dma_wait3A_493, %dma_wait3A_494] : memref<6x128x128xf32, #tpu.memory_space<vmem>> -> memref<1x128x128xf32, #tpu.memory_space<vmem>>
      %dma_wait3A_496 = tpu.memref_squeeze %dma_wait3A_495 : memref<1x128x128xf32, #tpu.memory_space<vmem>> -> memref<128x128xf32, #tpu.memory_space<vmem>>
      %dma_wait3A_497 = arith.constant 0 : i32
      %dma_wait3A_498 = tpu.memref_slice %arg5[%add3A_460, %dma_wait3A_497] : memref<50x128xi32, #tpu.memory_space<vmem>> -> memref<1x128xi32, #tpu.memory_space<vmem>>
      %dma_wait3A_499 = tpu.memref_squeeze %dma_wait3A_498 : memref<1x128xi32, #tpu.memory_space<vmem>> -> memref<128xi32, #tpu.memory_space<vmem>>
      %dma_wait3A_500 = arith.constant 0 : i32
      %dma_wait3A_501 = arith.constant 0 : i32
      %dma_wait3A_502 = tpu.memref_slice %arg2[%dma_wait3A_500, %dma_wait3A_501] : memref<100000x128xf32, #tpu.memory_space<hbm>> -> memref<100000x128xf32, #tpu.memory_space<hbm>>
      tpu.wait_indirect_dma semaphore(%arg8 : memref<!tpu.dma_semaphore, #tpu.memory_space<semaphore_mem>>) src(%dma_wait3A_502 : memref<100000x128xf32, #tpu.memory_space<hbm>>) dst(%dma_wait3A_496 : memref<128x128xf32, #tpu.memory_space<vmem>>)
      %dma_start3A_503 = arith.constant 1 : i32
      %dma_start3A_504 = arith.constant 0 : i32
      %dma_start3A_505 = arith.constant 0 : i32
      %dma_start3A_506 = tpu.memref_slice %arg6[%dma_start3A_503, %dma_start3A_504, %dma_start3A_505] : memref<6x128x128xf32, #tpu.memory_space<vmem>> -> memref<1x128x128xf32, #tpu.memory_space<vmem>>
      %dma_start3A_507 = tpu.memref_squeeze %dma_start3A_506 : memref<1x128x128xf32, #tpu.memory_space<vmem>> -> memref<128x128xf32, #tpu.memory_space<vmem>>
      %dma_start3A_508 = arith.constant 0 : i32
      %dma_start3A_509 = tpu.memref_slice %arg4[%add3A_460, %mul3A_2, %dma_start3A_508] : memref<50x4096x128xf32, #tpu.memory_space<hbm>> -> memref<1x128x128xf32, #tpu.memory_space<hbm>>
      %dma_start3A_510 = tpu.memref_squeeze %dma_start3A_509 : memref<1x128x128xf32, #tpu.memory_space<hbm>> -> memref<128x128xf32, #tpu.memory_space<hbm>>
      %dma_start3A_511 = arith.constant 0 : i32
      %dma_start3A_512 = tpu.memref_slice %arg4[%add3A_460, %mul3A_2, %dma_start3A_511] : memref<50x4096x128xf32, #tpu.memory_space<hbm>> -> memref<1x128x128xf32, #tpu.memory_space<hbm>>
      %dma_start3A_513 = tpu.memref_squeeze %dma_start3A_512 : memref<1x128x128xf32, #tpu.memory_space<hbm>> -> memref<128x128xf32, #tpu.memory_space<hbm>>
      %dma_start3A_514 = arith.constant 0 : i32
      %dma_start3A_515 = arith.constant 0 : i32
      %dma_start3A_516 = tpu.memref_slice %arg6[%dma_start3A_503, %dma_start3A_514, %dma_start3A_515] : memref<6x128x128xf32, #tpu.memory_space<vmem>> -> memref<1x128x128xf32, #tpu.memory_space<vmem>>
      %dma_start3A_517 = tpu.memref_squeeze %dma_start3A_516 : memref<1x128x128xf32, #tpu.memory_space<vmem>> -> memref<128x128xf32, #tpu.memory_space<vmem>>
      tpu.enqueue_dma source(%dma_start3A_517 : memref<128x128xf32, #tpu.memory_space<vmem>>) target(%dma_start3A_513 : memref<128x128xf32, #tpu.memory_space<hbm>>) target_semaphore(%arg14 : memref<!tpu.dma_semaphore, #tpu.memory_space<semaphore_mem>>)
      %add3A_518 = arith.constant 1 : i32
      %add3A_519 = arith.addi %add3A_458, %add3A_518 : i32
      %sub3A_520 = arith.constant 1 : i32
      %sub3A_521 = arith.subi %add3A_519, %sub3A_520 : i32
      %dma_wait3A_522 = arith.constant 1 : i32
      %dma_wait3A_523 = arith.constant 0 : i32
      %dma_wait3A_524 = arith.constant 0 : i32
      %dma_wait3A_525 = tpu.memref_slice %arg6[%dma_wait3A_522, %dma_wait3A_523, %dma_wait3A_524] : memref<6x128x128xf32, #tpu.memory_space<vmem>> -> memref<1x128x128xf32, #tpu.memory_space<vmem>>
      %dma_wait3A_526 = tpu.memref_squeeze %dma_wait3A_525 : memref<1x128x128xf32, #tpu.memory_space<vmem>> -> memref<128x128xf32, #tpu.memory_space<vmem>>
      %dma_wait3A_527 = arith.constant 0 : i32
      %dma_wait3A_528 = tpu.memref_slice %arg4[%sub3A_521, %mul3A_2, %dma_wait3A_527] : memref<50x4096x128xf32, #tpu.memory_space<hbm>> -> memref<1x128x128xf32, #tpu.memory_space<hbm>>
      %dma_wait3A_529 = tpu.memref_squeeze %dma_wait3A_528 : memref<1x128x128xf32, #tpu.memory_space<hbm>> -> memref<128x128xf32, #tpu.memory_space<hbm>>
      %dma_wait3A_530 = arith.constant 0 : i32
      %dma_wait3A_531 = tpu.memref_slice %arg4[%sub3A_521, %mul3A_2, %dma_wait3A_530] : memref<50x4096x128xf32, #tpu.memory_space<hbm>> -> memref<1x128x128xf32, #tpu.memory_space<hbm>>
      %dma_wait3A_532 = tpu.memref_squeeze %dma_wait3A_531 : memref<1x128x128xf32, #tpu.memory_space<hbm>> -> memref<128x128xf32, #tpu.memory_space<hbm>>
      %dma_wait3A_533 = arith.constant 0 : i32
      %dma_wait3A_534 = arith.constant 0 : i32
      %dma_wait3A_535 = tpu.memref_slice %arg6[%dma_wait3A_522, %dma_wait3A_533, %dma_wait3A_534] : memref<6x128x128xf32, #tpu.memory_space<vmem>> -> memref<1x128x128xf32, #tpu.memory_space<vmem>>
      %dma_wait3A_536 = tpu.memref_squeeze %dma_wait3A_535 : memref<1x128x128xf32, #tpu.memory_space<vmem>> -> memref<128x128xf32, #tpu.memory_space<vmem>>
      tpu.wait_dma2 semaphore(%arg14 : memref<!tpu.dma_semaphore, #tpu.memory_space<semaphore_mem>>) src(%dma_wait3A_536 : memref<128x128xf32, #tpu.memory_space<vmem>>) dst(%dma_wait3A_532 : memref<128x128xf32, #tpu.memory_space<hbm>>)
      %add3A_537 = arith.constant 6 : i32
      %add3A_538 = arith.addi %add3A_519, %add3A_537 : i32
      %sub3A_539 = arith.constant 1 : i32
      %sub3A_540 = arith.subi %add3A_538, %sub3A_539 : i32
      %dma_start3A_541 = arith.constant 1 : i32
      %dma_start3A_542 = arith.constant 0 : i32
      %dma_start3A_543 = arith.constant 0 : i32
      %dma_start3A_544 = tpu.memref_slice %arg6[%dma_start3A_541, %dma_start3A_542, %dma_start3A_543] : memref<6x128x128xf32, #tpu.memory_space<vmem>> -> memref<1x128x128xf32, #tpu.memory_space<vmem>>
      %dma_start3A_545 = tpu.memref_squeeze %dma_start3A_544 : memref<1x128x128xf32, #tpu.memory_space<vmem>> -> memref<128x128xf32, #tpu.memory_space<vmem>>
      %dma_start3A_546 = arith.constant 0 : i32
      %dma_start3A_547 = tpu.memref_slice %arg5[%sub3A_540, %dma_start3A_546] : memref<50x128xi32, #tpu.memory_space<vmem>> -> memref<1x128xi32, #tpu.memory_space<vmem>>
      %dma_start3A_548 = tpu.memref_squeeze %dma_start3A_547 : memref<1x128xi32, #tpu.memory_space<vmem>> -> memref<128xi32, #tpu.memory_space<vmem>>
      %dma_start3A_549 = arith.constant 0 : i32
      %dma_start3A_550 = arith.constant 0 : i32
      %dma_start3A_551 = tpu.memref_slice %arg2[%dma_start3A_549, %dma_start3A_550] : memref<100000x128xf32, #tpu.memory_space<hbm>> -> memref<100000x128xf32, #tpu.memory_space<hbm>>
      tpu.enqueue_indirect_dma source(%dma_start3A_551 : memref<100000x128xf32, #tpu.memory_space<hbm>>) target(%dma_start3A_545 : memref<128x128xf32, #tpu.memory_space<vmem>>) offsets(%dma_start3A_548 : memref<128xi32, #tpu.memory_space<vmem>>) semaphore(%arg8 : memref<!tpu.dma_semaphore, #tpu.memory_space<semaphore_mem>>)
      %dma_wait3A_552 = arith.constant 2 : i32
      %dma_wait3A_553 = arith.constant 0 : i32
      %dma_wait3A_554 = arith.constant 0 : i32
      %dma_wait3A_555 = tpu.memref_slice %arg6[%dma_wait3A_552, %dma_wait3A_553, %dma_wait3A_554] : memref<6x128x128xf32, #tpu.memory_space<vmem>> -> memref<1x128x128xf32, #tpu.memory_space<vmem>>
      %dma_wait3A_556 = tpu.memref_squeeze %dma_wait3A_555 : memref<1x128x128xf32, #tpu.memory_space<vmem>> -> memref<128x128xf32, #tpu.memory_space<vmem>>
      %dma_wait3A_557 = arith.constant 0 : i32
      %dma_wait3A_558 = tpu.memref_slice %arg5[%add3A_519, %dma_wait3A_557] : memref<50x128xi32, #tpu.memory_space<vmem>> -> memref<1x128xi32, #tpu.memory_space<vmem>>
      %dma_wait3A_559 = tpu.memref_squeeze %dma_wait3A_558 : memref<1x128xi32, #tpu.memory_space<vmem>> -> memref<128xi32, #tpu.memory_space<vmem>>
      %dma_wait3A_560 = arith.constant 0 : i32
      %dma_wait3A_561 = arith.constant 0 : i32
      %dma_wait3A_562 = tpu.memref_slice %arg2[%dma_wait3A_560, %dma_wait3A_561] : memref<100000x128xf32, #tpu.memory_space<hbm>> -> memref<100000x128xf32, #tpu.memory_space<hbm>>
      tpu.wait_indirect_dma semaphore(%arg9 : memref<!tpu.dma_semaphore, #tpu.memory_space<semaphore_mem>>) src(%dma_wait3A_562 : memref<100000x128xf32, #tpu.memory_space<hbm>>) dst(%dma_wait3A_556 : memref<128x128xf32, #tpu.memory_space<vmem>>)
      %dma_start3A_563 = arith.constant 2 : i32
      %dma_start3A_564 = arith.constant 0 : i32
      %dma_start3A_565 = arith.constant 0 : i32
      %dma_start3A_566 = tpu.memref_slice %arg6[%dma_start3A_563, %dma_start3A_564, %dma_start3A_565] : memref<6x128x128xf32, #tpu.memory_space<vmem>> -> memref<1x128x128xf32, #tpu.memory_space<vmem>>
      %dma_start3A_567 = tpu.memref_squeeze %dma_start3A_566 : memref<1x128x128xf32, #tpu.memory_space<vmem>> -> memref<128x128xf32, #tpu.memory_space<vmem>>
      %dma_start3A_568 = arith.constant 0 : i32
      %dma_start3A_569 = tpu.memref_slice %arg4[%add3A_519, %mul3A_2, %dma_start3A_568] : memref<50x4096x128xf32, #tpu.memory_space<hbm>> -> memref<1x128x128xf32, #tpu.memory_space<hbm>>
      %dma_start3A_570 = tpu.memref_squeeze %dma_start3A_569 : memref<1x128x128xf32, #tpu.memory_space<hbm>> -> memref<128x128xf32, #tpu.memory_space<hbm>>
      %dma_start3A_571 = arith.constant 0 : i32
      %dma_start3A_572 = tpu.memref_slice %arg4[%add3A_519, %mul3A_2, %dma_start3A_571] : memref<50x4096x128xf32, #tpu.memory_space<hbm>> -> memref<1x128x128xf32, #tpu.memory_space<hbm>>
      %dma_start3A_573 = tpu.memref_squeeze %dma_start3A_572 : memref<1x128x128xf32, #tpu.memory_space<hbm>> -> memref<128x128xf32, #tpu.memory_space<hbm>>
      %dma_start3A_574 = arith.constant 0 : i32
      %dma_start3A_575 = arith.constant 0 : i32
      %dma_start3A_576 = tpu.memref_slice %arg6[%dma_start3A_563, %dma_start3A_574, %dma_start3A_575] : memref<6x128x128xf32, #tpu.memory_space<vmem>> -> memref<1x128x128xf32, #tpu.memory_space<vmem>>
      %dma_start3A_577 = tpu.memref_squeeze %dma_start3A_576 : memref<1x128x128xf32, #tpu.memory_space<vmem>> -> memref<128x128xf32, #tpu.memory_space<vmem>>
      tpu.enqueue_dma source(%dma_start3A_577 : memref<128x128xf32, #tpu.memory_space<vmem>>) target(%dma_start3A_573 : memref<128x128xf32, #tpu.memory_space<hbm>>) target_semaphore(%arg15 : memref<!tpu.dma_semaphore, #tpu.memory_space<semaphore_mem>>)
      %add3A_578 = arith.constant 2 : i32
      %add3A_579 = arith.addi %add3A_458, %add3A_578 : i32
      %sub3A_580 = arith.constant 1 : i32
      %sub3A_581 = arith.subi %add3A_579, %sub3A_580 : i32
      %dma_wait3A_582 = arith.constant 2 : i32
      %dma_wait3A_583 = arith.constant 0 : i32
      %dma_wait3A_584 = arith.constant 0 : i32
      %dma_wait3A_585 = tpu.memref_slice %arg6[%dma_wait3A_582, %dma_wait3A_583, %dma_wait3A_584] : memref<6x128x128xf32, #tpu.memory_space<vmem>> -> memref<1x128x128xf32, #tpu.memory_space<vmem>>
      %dma_wait3A_586 = tpu.memref_squeeze %dma_wait3A_585 : memref<1x128x128xf32, #tpu.memory_space<vmem>> -> memref<128x128xf32, #tpu.memory_space<vmem>>
      %dma_wait3A_587 = arith.constant 0 : i32
      %dma_wait3A_588 = tpu.memref_slice %arg4[%sub3A_581, %mul3A_2, %dma_wait3A_587] : memref<50x4096x128xf32, #tpu.memory_space<hbm>> -> memref<1x128x128xf32, #tpu.memory_space<hbm>>
      %dma_wait3A_589 = tpu.memref_squeeze %dma_wait3A_588 : memref<1x128x128xf32, #tpu.memory_space<hbm>> -> memref<128x128xf32, #tpu.memory_space<hbm>>
      %dma_wait3A_590 = arith.constant 0 : i32
      %dma_wait3A_591 = tpu.memref_slice %arg4[%sub3A_581, %mul3A_2, %dma_wait3A_590] : memref<50x4096x128xf32, #tpu.memory_space<hbm>> -> memref<1x128x128xf32, #tpu.memory_space<hbm>>
      %dma_wait3A_592 = tpu.memref_squeeze %dma_wait3A_591 : memref<1x128x128xf32, #tpu.memory_space<hbm>> -> memref<128x128xf32, #tpu.memory_space<hbm>>
      %dma_wait3A_593 = arith.constant 0 : i32
      %dma_wait3A_594 = arith.constant 0 : i32
      %dma_wait3A_595 = tpu.memref_slice %arg6[%dma_wait3A_582, %dma_wait3A_593, %dma_wait3A_594] : memref<6x128x128xf32, #tpu.memory_space<vmem>> -> memref<1x128x128xf32, #tpu.memory_space<vmem>>
      %dma_wait3A_596 = tpu.memref_squeeze %dma_wait3A_595 : memref<1x128x128xf32, #tpu.memory_space<vmem>> -> memref<128x128xf32, #tpu.memory_space<vmem>>
      tpu.wait_dma2 semaphore(%arg15 : memref<!tpu.dma_semaphore, #tpu.memory_space<semaphore_mem>>) src(%dma_wait3A_596 : memref<128x128xf32, #tpu.memory_space<vmem>>) dst(%dma_wait3A_592 : memref<128x128xf32, #tpu.memory_space<hbm>>)
      %add3A_597 = arith.constant 6 : i32
      %add3A_598 = arith.addi %add3A_579, %add3A_597 : i32
      %sub3A_599 = arith.constant 1 : i32
      %sub3A_600 = arith.subi %add3A_598, %sub3A_599 : i32
      %dma_start3A_601 = arith.constant 2 : i32
      %dma_start3A_602 = arith.constant 0 : i32
      %dma_start3A_603 = arith.constant 0 : i32
      %dma_start3A_604 = tpu.memref_slice %arg6[%dma_start3A_601, %dma_start3A_602, %dma_start3A_603] : memref<6x128x128xf32, #tpu.memory_space<vmem>> -> memref<1x128x128xf32, #tpu.memory_space<vmem>>
      %dma_start3A_605 = tpu.memref_squeeze %dma_start3A_604 : memref<1x128x128xf32, #tpu.memory_space<vmem>> -> memref<128x128xf32, #tpu.memory_space<vmem>>
      %dma_start3A_606 = arith.constant 0 : i32
      %dma_start3A_607 = tpu.memref_slice %arg5[%sub3A_600, %dma_start3A_606] : memref<50x128xi32, #tpu.memory_space<vmem>> -> memref<1x128xi32, #tpu.memory_space<vmem>>
      %dma_start3A_608 = tpu.memref_squeeze %dma_start3A_607 : memref<1x128xi32, #tpu.memory_space<vmem>> -> memref<128xi32, #tpu.memory_space<vmem>>
      %dma_start3A_609 = arith.constant 0 : i32
      %dma_start3A_610 = arith.constant 0 : i32
      %dma_start3A_611 = tpu.memref_slice %arg2[%dma_start3A_609, %dma_start3A_610] : memref<100000x128xf32, #tpu.memory_space<hbm>> -> memref<100000x128xf32, #tpu.memory_space<hbm>>
      tpu.enqueue_indirect_dma source(%dma_start3A_611 : memref<100000x128xf32, #tpu.memory_space<hbm>>) target(%dma_start3A_605 : memref<128x128xf32, #tpu.memory_space<vmem>>) offsets(%dma_start3A_608 : memref<128xi32, #tpu.memory_space<vmem>>) semaphore(%arg9 : memref<!tpu.dma_semaphore, #tpu.memory_space<semaphore_mem>>)
      %dma_wait3A_612 = arith.constant 3 : i32
      %dma_wait3A_613 = arith.constant 0 : i32
      %dma_wait3A_614 = arith.constant 0 : i32
      %dma_wait3A_615 = tpu.memref_slice %arg6[%dma_wait3A_612, %dma_wait3A_613, %dma_wait3A_614] : memref<6x128x128xf32, #tpu.memory_space<vmem>> -> memref<1x128x128xf32, #tpu.memory_space<vmem>>
      %dma_wait3A_616 = tpu.memref_squeeze %dma_wait3A_615 : memref<1x128x128xf32, #tpu.memory_space<vmem>> -> memref<128x128xf32, #tpu.memory_space<vmem>>
      %dma_wait3A_617 = arith.constant 0 : i32
      %dma_wait3A_618 = tpu.memref_slice %arg5[%add3A_579, %dma_wait3A_617] : memref<50x128xi32, #tpu.memory_space<vmem>> -> memref<1x128xi32, #tpu.memory_space<vmem>>
      %dma_wait3A_619 = tpu.memref_squeeze %dma_wait3A_618 : memref<1x128xi32, #tpu.memory_space<vmem>> -> memref<128xi32, #tpu.memory_space<vmem>>
      %dma_wait3A_620 = arith.constant 0 : i32
      %dma_wait3A_621 = arith.constant 0 : i32
      %dma_wait3A_622 = tpu.memref_slice %arg2[%dma_wait3A_620, %dma_wait3A_621] : memref<100000x128xf32, #tpu.memory_space<hbm>> -> memref<100000x128xf32, #tpu.memory_space<hbm>>
      tpu.wait_indirect_dma semaphore(%arg10 : memref<!tpu.dma_semaphore, #tpu.memory_space<semaphore_mem>>) src(%dma_wait3A_622 : memref<100000x128xf32, #tpu.memory_space<hbm>>) dst(%dma_wait3A_616 : memref<128x128xf32, #tpu.memory_space<vmem>>)
      %dma_start3A_623 = arith.constant 3 : i32
      %dma_start3A_624 = arith.constant 0 : i32
      %dma_start3A_625 = arith.constant 0 : i32
      %dma_start3A_626 = tpu.memref_slice %arg6[%dma_start3A_623, %dma_start3A_624, %dma_start3A_625] : memref<6x128x128xf32, #tpu.memory_space<vmem>> -> memref<1x128x128xf32, #tpu.memory_space<vmem>>
      %dma_start3A_627 = tpu.memref_squeeze %dma_start3A_626 : memref<1x128x128xf32, #tpu.memory_space<vmem>> -> memref<128x128xf32, #tpu.memory_space<vmem>>
      %dma_start3A_628 = arith.constant 0 : i32
      %dma_start3A_629 = tpu.memref_slice %arg4[%add3A_579, %mul3A_2, %dma_start3A_628] : memref<50x4096x128xf32, #tpu.memory_space<hbm>> -> memref<1x128x128xf32, #tpu.memory_space<hbm>>
      %dma_start3A_630 = tpu.memref_squeeze %dma_start3A_629 : memref<1x128x128xf32, #tpu.memory_space<hbm>> -> memref<128x128xf32, #tpu.memory_space<hbm>>
      %dma_start3A_631 = arith.constant 0 : i32
      %dma_start3A_632 = tpu.memref_slice %arg4[%add3A_579, %mul3A_2, %dma_start3A_631] : memref<50x4096x128xf32, #tpu.memory_space<hbm>> -> memref<1x128x128xf32, #tpu.memory_space<hbm>>
      %dma_start3A_633 = tpu.memref_squeeze %dma_start3A_632 : memref<1x128x128xf32, #tpu.memory_space<hbm>> -> memref<128x128xf32, #tpu.memory_space<hbm>>
      %dma_start3A_634 = arith.constant 0 : i32
      %dma_start3A_635 = arith.constant 0 : i32
      %dma_start3A_636 = tpu.memref_slice %arg6[%dma_start3A_623, %dma_start3A_634, %dma_start3A_635] : memref<6x128x128xf32, #tpu.memory_space<vmem>> -> memref<1x128x128xf32, #tpu.memory_space<vmem>>
      %dma_start3A_637 = tpu.memref_squeeze %dma_start3A_636 : memref<1x128x128xf32, #tpu.memory_space<vmem>> -> memref<128x128xf32, #tpu.memory_space<vmem>>
      tpu.enqueue_dma source(%dma_start3A_637 : memref<128x128xf32, #tpu.memory_space<vmem>>) target(%dma_start3A_633 : memref<128x128xf32, #tpu.memory_space<hbm>>) target_semaphore(%arg16 : memref<!tpu.dma_semaphore, #tpu.memory_space<semaphore_mem>>)
      %add3A_638 = arith.constant 3 : i32
      %add3A_639 = arith.addi %add3A_458, %add3A_638 : i32
      %sub3A_640 = arith.constant 1 : i32
      %sub3A_641 = arith.subi %add3A_639, %sub3A_640 : i32
      %dma_wait3A_642 = arith.constant 3 : i32
      %dma_wait3A_643 = arith.constant 0 : i32
      %dma_wait3A_644 = arith.constant 0 : i32
      %dma_wait3A_645 = tpu.memref_slice %arg6[%dma_wait3A_642, %dma_wait3A_643, %dma_wait3A_644] : memref<6x128x128xf32, #tpu.memory_space<vmem>> -> memref<1x128x128xf32, #tpu.memory_space<vmem>>
      %dma_wait3A_646 = tpu.memref_squeeze %dma_wait3A_645 : memref<1x128x128xf32, #tpu.memory_space<vmem>> -> memref<128x128xf32, #tpu.memory_space<vmem>>
      %dma_wait3A_647 = arith.constant 0 : i32
      %dma_wait3A_648 = tpu.memref_slice %arg4[%sub3A_641, %mul3A_2, %dma_wait3A_647] : memref<50x4096x128xf32, #tpu.memory_space<hbm>> -> memref<1x128x128xf32, #tpu.memory_space<hbm>>
      %dma_wait3A_649 = tpu.memref_squeeze %dma_wait3A_648 : memref<1x128x128xf32, #tpu.memory_space<hbm>> -> memref<128x128xf32, #tpu.memory_space<hbm>>
      %dma_wait3A_650 = arith.constant 0 : i32
      %dma_wait3A_651 = tpu.memref_slice %arg4[%sub3A_641, %mul3A_2, %dma_wait3A_650] : memref<50x4096x128xf32, #tpu.memory_space<hbm>> -> memref<1x128x128xf32, #tpu.memory_space<hbm>>
      %dma_wait3A_652 = tpu.memref_squeeze %dma_wait3A_651 : memref<1x128x128xf32, #tpu.memory_space<hbm>> -> memref<128x128xf32, #tpu.memory_space<hbm>>
      %dma_wait3A_653 = arith.constant 0 : i32
      %dma_wait3A_654 = arith.constant 0 : i32
      %dma_wait3A_655 = tpu.memref_slice %arg6[%dma_wait3A_642, %dma_wait3A_653, %dma_wait3A_654] : memref<6x128x128xf32, #tpu.memory_space<vmem>> -> memref<1x128x128xf32, #tpu.memory_space<vmem>>
      %dma_wait3A_656 = tpu.memref_squeeze %dma_wait3A_655 : memref<1x128x128xf32, #tpu.memory_space<vmem>> -> memref<128x128xf32, #tpu.memory_space<vmem>>
      tpu.wait_dma2 semaphore(%arg16 : memref<!tpu.dma_semaphore, #tpu.memory_space<semaphore_mem>>) src(%dma_wait3A_656 : memref<128x128xf32, #tpu.memory_space<vmem>>) dst(%dma_wait3A_652 : memref<128x128xf32, #tpu.memory_space<hbm>>)
      %add3A_657 = arith.constant 6 : i32
      %add3A_658 = arith.addi %add3A_639, %add3A_657 : i32
      %sub3A_659 = arith.constant 1 : i32
      %sub3A_660 = arith.subi %add3A_658, %sub3A_659 : i32
      %dma_start3A_661 = arith.constant 3 : i32
      %dma_start3A_662 = arith.constant 0 : i32
      %dma_start3A_663 = arith.constant 0 : i32
      %dma_start3A_664 = tpu.memref_slice %arg6[%dma_start3A_661, %dma_start3A_662, %dma_start3A_663] : memref<6x128x128xf32, #tpu.memory_space<vmem>> -> memref<1x128x128xf32, #tpu.memory_space<vmem>>
      %dma_start3A_665 = tpu.memref_squeeze %dma_start3A_664 : memref<1x128x128xf32, #tpu.memory_space<vmem>> -> memref<128x128xf32, #tpu.memory_space<vmem>>
      %dma_start3A_666 = arith.constant 0 : i32
      %dma_start3A_667 = tpu.memref_slice %arg5[%sub3A_660, %dma_start3A_666] : memref<50x128xi32, #tpu.memory_space<vmem>> -> memref<1x128xi32, #tpu.memory_space<vmem>>
      %dma_start3A_668 = tpu.memref_squeeze %dma_start3A_667 : memref<1x128xi32, #tpu.memory_space<vmem>> -> memref<128xi32, #tpu.memory_space<vmem>>
      %dma_start3A_669 = arith.constant 0 : i32
      %dma_start3A_670 = arith.constant 0 : i32
      %dma_start3A_671 = tpu.memref_slice %arg2[%dma_start3A_669, %dma_start3A_670] : memref<100000x128xf32, #tpu.memory_space<hbm>> -> memref<100000x128xf32, #tpu.memory_space<hbm>>
      tpu.enqueue_indirect_dma source(%dma_start3A_671 : memref<100000x128xf32, #tpu.memory_space<hbm>>) target(%dma_start3A_665 : memref<128x128xf32, #tpu.memory_space<vmem>>) offsets(%dma_start3A_668 : memref<128xi32, #tpu.memory_space<vmem>>) semaphore(%arg10 : memref<!tpu.dma_semaphore, #tpu.memory_space<semaphore_mem>>)
      %dma_wait3A_672 = arith.constant 4 : i32
      %dma_wait3A_673 = arith.constant 0 : i32
      %dma_wait3A_674 = arith.constant 0 : i32
      %dma_wait3A_675 = tpu.memref_slice %arg6[%dma_wait3A_672, %dma_wait3A_673, %dma_wait3A_674] : memref<6x128x128xf32, #tpu.memory_space<vmem>> -> memref<1x128x128xf32, #tpu.memory_space<vmem>>
      %dma_wait3A_676 = tpu.memref_squeeze %dma_wait3A_675 : memref<1x128x128xf32, #tpu.memory_space<vmem>> -> memref<128x128xf32, #tpu.memory_space<vmem>>
      %dma_wait3A_677 = arith.constant 0 : i32
      %dma_wait3A_678 = tpu.memref_slice %arg5[%add3A_639, %dma_wait3A_677] : memref<50x128xi32, #tpu.memory_space<vmem>> -> memref<1x128xi32, #tpu.memory_space<vmem>>
      %dma_wait3A_679 = tpu.memref_squeeze %dma_wait3A_678 : memref<1x128xi32, #tpu.memory_space<vmem>> -> memref<128xi32, #tpu.memory_space<vmem>>
      %dma_wait3A_680 = arith.constant 0 : i32
      %dma_wait3A_681 = arith.constant 0 : i32
      %dma_wait3A_682 = tpu.memref_slice %arg2[%dma_wait3A_680, %dma_wait3A_681] : memref<100000x128xf32, #tpu.memory_space<hbm>> -> memref<100000x128xf32, #tpu.memory_space<hbm>>
      tpu.wait_indirect_dma semaphore(%arg11 : memref<!tpu.dma_semaphore, #tpu.memory_space<semaphore_mem>>) src(%dma_wait3A_682 : memref<100000x128xf32, #tpu.memory_space<hbm>>) dst(%dma_wait3A_676 : memref<128x128xf32, #tpu.memory_space<vmem>>)
      %dma_start3A_683 = arith.constant 4 : i32
      %dma_start3A_684 = arith.constant 0 : i32
      %dma_start3A_685 = arith.constant 0 : i32
      %dma_start3A_686 = tpu.memref_slice %arg6[%dma_start3A_683, %dma_start3A_684, %dma_start3A_685] : memref<6x128x128xf32, #tpu.memory_space<vmem>> -> memref<1x128x128xf32, #tpu.memory_space<vmem>>
      %dma_start3A_687 = tpu.memref_squeeze %dma_start3A_686 : memref<1x128x128xf32, #tpu.memory_space<vmem>> -> memref<128x128xf32, #tpu.memory_space<vmem>>
      %dma_start3A_688 = arith.constant 0 : i32
      %dma_start3A_689 = tpu.memref_slice %arg4[%add3A_639, %mul3A_2, %dma_start3A_688] : memref<50x4096x128xf32, #tpu.memory_space<hbm>> -> memref<1x128x128xf32, #tpu.memory_space<hbm>>
      %dma_start3A_690 = tpu.memref_squeeze %dma_start3A_689 : memref<1x128x128xf32, #tpu.memory_space<hbm>> -> memref<128x128xf32, #tpu.memory_space<hbm>>
      %dma_start3A_691 = arith.constant 0 : i32
      %dma_start3A_692 = tpu.memref_slice %arg4[%add3A_639, %mul3A_2, %dma_start3A_691] : memref<50x4096x128xf32, #tpu.memory_space<hbm>> -> memref<1x128x128xf32, #tpu.memory_space<hbm>>
      %dma_start3A_693 = tpu.memref_squeeze %dma_start3A_692 : memref<1x128x128xf32, #tpu.memory_space<hbm>> -> memref<128x128xf32, #tpu.memory_space<hbm>>
      %dma_start3A_694 = arith.constant 0 : i32
      %dma_start3A_695 = arith.constant 0 : i32
      %dma_start3A_696 = tpu.memref_slice %arg6[%dma_start3A_683, %dma_start3A_694, %dma_start3A_695] : memref<6x128x128xf32, #tpu.memory_space<vmem>> -> memref<1x128x128xf32, #tpu.memory_space<vmem>>
      %dma_start3A_697 = tpu.memref_squeeze %dma_start3A_696 : memref<1x128x128xf32, #tpu.memory_space<vmem>> -> memref<128x128xf32, #tpu.memory_space<vmem>>
      tpu.enqueue_dma source(%dma_start3A_697 : memref<128x128xf32, #tpu.memory_space<vmem>>) target(%dma_start3A_693 : memref<128x128xf32, #tpu.memory_space<hbm>>) target_semaphore(%arg17 : memref<!tpu.dma_semaphore, #tpu.memory_space<semaphore_mem>>)
      %add3A_698 = arith.constant 4 : i32
      %add3A_699 = arith.addi %add3A_458, %add3A_698 : i32
      %sub3A_700 = arith.constant 1 : i32
      %sub3A_701 = arith.subi %add3A_699, %sub3A_700 : i32
      %dma_wait3A_702 = arith.constant 4 : i32
      %dma_wait3A_703 = arith.constant 0 : i32
      %dma_wait3A_704 = arith.constant 0 : i32
      %dma_wait3A_705 = tpu.memref_slice %arg6[%dma_wait3A_702, %dma_wait3A_703, %dma_wait3A_704] : memref<6x128x128xf32, #tpu.memory_space<vmem>> -> memref<1x128x128xf32, #tpu.memory_space<vmem>>
      %dma_wait3A_706 = tpu.memref_squeeze %dma_wait3A_705 : memref<1x128x128xf32, #tpu.memory_space<vmem>> -> memref<128x128xf32, #tpu.memory_space<vmem>>
      %dma_wait3A_707 = arith.constant 0 : i32
      %dma_wait3A_708 = tpu.memref_slice %arg4[%sub3A_701, %mul3A_2, %dma_wait3A_707] : memref<50x4096x128xf32, #tpu.memory_space<hbm>> -> memref<1x128x128xf32, #tpu.memory_space<hbm>>
      %dma_wait3A_709 = tpu.memref_squeeze %dma_wait3A_708 : memref<1x128x128xf32, #tpu.memory_space<hbm>> -> memref<128x128xf32, #tpu.memory_space<hbm>>
      %dma_wait3A_710 = arith.constant 0 : i32
      %dma_wait3A_711 = tpu.memref_slice %arg4[%sub3A_701, %mul3A_2, %dma_wait3A_710] : memref<50x4096x128xf32, #tpu.memory_space<hbm>> -> memref<1x128x128xf32, #tpu.memory_space<hbm>>
      %dma_wait3A_712 = tpu.memref_squeeze %dma_wait3A_711 : memref<1x128x128xf32, #tpu.memory_space<hbm>> -> memref<128x128xf32, #tpu.memory_space<hbm>>
      %dma_wait3A_713 = arith.constant 0 : i32
      %dma_wait3A_714 = arith.constant 0 : i32
      %dma_wait3A_715 = tpu.memref_slice %arg6[%dma_wait3A_702, %dma_wait3A_713, %dma_wait3A_714] : memref<6x128x128xf32, #tpu.memory_space<vmem>> -> memref<1x128x128xf32, #tpu.memory_space<vmem>>
      %dma_wait3A_716 = tpu.memref_squeeze %dma_wait3A_715 : memref<1x128x128xf32, #tpu.memory_space<vmem>> -> memref<128x128xf32, #tpu.memory_space<vmem>>
      tpu.wait_dma2 semaphore(%arg17 : memref<!tpu.dma_semaphore, #tpu.memory_space<semaphore_mem>>) src(%dma_wait3A_716 : memref<128x128xf32, #tpu.memory_space<vmem>>) dst(%dma_wait3A_712 : memref<128x128xf32, #tpu.memory_space<hbm>>)
      %add3A_717 = arith.constant 6 : i32
      %add3A_718 = arith.addi %add3A_699, %add3A_717 : i32
      %sub3A_719 = arith.constant 1 : i32
      %sub3A_720 = arith.subi %add3A_718, %sub3A_719 : i32
      %dma_start3A_721 = arith.constant 4 : i32
      %dma_start3A_722 = arith.constant 0 : i32
      %dma_start3A_723 = arith.constant 0 : i32
      %dma_start3A_724 = tpu.memref_slice %arg6[%dma_start3A_721, %dma_start3A_722, %dma_start3A_723] : memref<6x128x128xf32, #tpu.memory_space<vmem>> -> memref<1x128x128xf32, #tpu.memory_space<vmem>>
      %dma_start3A_725 = tpu.memref_squeeze %dma_start3A_724 : memref<1x128x128xf32, #tpu.memory_space<vmem>> -> memref<128x128xf32, #tpu.memory_space<vmem>>
      %dma_start3A_726 = arith.constant 0 : i32
      %dma_start3A_727 = tpu.memref_slice %arg5[%sub3A_720, %dma_start3A_726] : memref<50x128xi32, #tpu.memory_space<vmem>> -> memref<1x128xi32, #tpu.memory_space<vmem>>
      %dma_start3A_728 = tpu.memref_squeeze %dma_start3A_727 : memref<1x128xi32, #tpu.memory_space<vmem>> -> memref<128xi32, #tpu.memory_space<vmem>>
      %dma_start3A_729 = arith.constant 0 : i32
      %dma_start3A_730 = arith.constant 0 : i32
      %dma_start3A_731 = tpu.memref_slice %arg2[%dma_start3A_729, %dma_start3A_730] : memref<100000x128xf32, #tpu.memory_space<hbm>> -> memref<100000x128xf32, #tpu.memory_space<hbm>>
      tpu.enqueue_indirect_dma source(%dma_start3A_731 : memref<100000x128xf32, #tpu.memory_space<hbm>>) target(%dma_start3A_725 : memref<128x128xf32, #tpu.memory_space<vmem>>) offsets(%dma_start3A_728 : memref<128xi32, #tpu.memory_space<vmem>>) semaphore(%arg11 : memref<!tpu.dma_semaphore, #tpu.memory_space<semaphore_mem>>)
      %dma_wait3A_732 = arith.constant 5 : i32
      %dma_wait3A_733 = arith.constant 0 : i32
      %dma_wait3A_734 = arith.constant 0 : i32
      %dma_wait3A_735 = tpu.memref_slice %arg6[%dma_wait3A_732, %dma_wait3A_733, %dma_wait3A_734] : memref<6x128x128xf32, #tpu.memory_space<vmem>> -> memref<1x128x128xf32, #tpu.memory_space<vmem>>
      %dma_wait3A_736 = tpu.memref_squeeze %dma_wait3A_735 : memref<1x128x128xf32, #tpu.memory_space<vmem>> -> memref<128x128xf32, #tpu.memory_space<vmem>>
      %dma_wait3A_737 = arith.constant 0 : i32
      %dma_wait3A_738 = tpu.memref_slice %arg5[%add3A_699, %dma_wait3A_737] : memref<50x128xi32, #tpu.memory_space<vmem>> -> memref<1x128xi32, #tpu.memory_space<vmem>>
      %dma_wait3A_739 = tpu.memref_squeeze %dma_wait3A_738 : memref<1x128xi32, #tpu.memory_space<vmem>> -> memref<128xi32, #tpu.memory_space<vmem>>
      %dma_wait3A_740 = arith.constant 0 : i32
      %dma_wait3A_741 = arith.constant 0 : i32
      %dma_wait3A_742 = tpu.memref_slice %arg2[%dma_wait3A_740, %dma_wait3A_741] : memref<100000x128xf32, #tpu.memory_space<hbm>> -> memref<100000x128xf32, #tpu.memory_space<hbm>>
      tpu.wait_indirect_dma semaphore(%arg12 : memref<!tpu.dma_semaphore, #tpu.memory_space<semaphore_mem>>) src(%dma_wait3A_742 : memref<100000x128xf32, #tpu.memory_space<hbm>>) dst(%dma_wait3A_736 : memref<128x128xf32, #tpu.memory_space<vmem>>)
      %dma_start3A_743 = arith.constant 5 : i32
      %dma_start3A_744 = arith.constant 0 : i32
      %dma_start3A_745 = arith.constant 0 : i32
      %dma_start3A_746 = tpu.memref_slice %arg6[%dma_start3A_743, %dma_start3A_744, %dma_start3A_745] : memref<6x128x128xf32, #tpu.memory_space<vmem>> -> memref<1x128x128xf32, #tpu.memory_space<vmem>>
      %dma_start3A_747 = tpu.memref_squeeze %dma_start3A_746 : memref<1x128x128xf32, #tpu.memory_space<vmem>> -> memref<128x128xf32, #tpu.memory_space<vmem>>
      %dma_start3A_748 = arith.constant 0 : i32
      %dma_start3A_749 = tpu.memref_slice %arg4[%add3A_699, %mul3A_2, %dma_start3A_748] : memref<50x4096x128xf32, #tpu.memory_space<hbm>> -> memref<1x128x128xf32, #tpu.memory_space<hbm>>
      %dma_start3A_750 = tpu.memref_squeeze %dma_start3A_749 : memref<1x128x128xf32, #tpu.memory_space<hbm>> -> memref<128x128xf32, #tpu.memory_space<hbm>>
      %dma_start3A_751 = arith.constant 0 : i32
      %dma_start3A_752 = tpu.memref_slice %arg4[%add3A_699, %mul3A_2, %dma_start3A_751] : memref<50x4096x128xf32, #tpu.memory_space<hbm>> -> memref<1x128x128xf32, #tpu.memory_space<hbm>>
      %dma_start3A_753 = tpu.memref_squeeze %dma_start3A_752 : memref<1x128x128xf32, #tpu.memory_space<hbm>> -> memref<128x128xf32, #tpu.memory_space<hbm>>
      %dma_start3A_754 = arith.constant 0 : i32
      %dma_start3A_755 = arith.constant 0 : i32
      %dma_start3A_756 = tpu.memref_slice %arg6[%dma_start3A_743, %dma_start3A_754, %dma_start3A_755] : memref<6x128x128xf32, #tpu.memory_space<vmem>> -> memref<1x128x128xf32, #tpu.memory_space<vmem>>
      %dma_start3A_757 = tpu.memref_squeeze %dma_start3A_756 : memref<1x128x128xf32, #tpu.memory_space<vmem>> -> memref<128x128xf32, #tpu.memory_space<vmem>>
      tpu.enqueue_dma source(%dma_start3A_757 : memref<128x128xf32, #tpu.memory_space<vmem>>) target(%dma_start3A_753 : memref<128x128xf32, #tpu.memory_space<hbm>>) target_semaphore(%arg18 : memref<!tpu.dma_semaphore, #tpu.memory_space<semaphore_mem>>)
      %add3A_758 = arith.constant 5 : i32
      %add3A_759 = arith.addi %add3A_458, %add3A_758 : i32
      %sub3A_760 = arith.constant 1 : i32
      %sub3A_761 = arith.subi %add3A_759, %sub3A_760 : i32
      %dma_wait3A_762 = arith.constant 5 : i32
      %dma_wait3A_763 = arith.constant 0 : i32
      %dma_wait3A_764 = arith.constant 0 : i32
      %dma_wait3A_765 = tpu.memref_slice %arg6[%dma_wait3A_762, %dma_wait3A_763, %dma_wait3A_764] : memref<6x128x128xf32, #tpu.memory_space<vmem>> -> memref<1x128x128xf32, #tpu.memory_space<vmem>>
      %dma_wait3A_766 = tpu.memref_squeeze %dma_wait3A_765 : memref<1x128x128xf32, #tpu.memory_space<vmem>> -> memref<128x128xf32, #tpu.memory_space<vmem>>
      %dma_wait3A_767 = arith.constant 0 : i32
      %dma_wait3A_768 = tpu.memref_slice %arg4[%sub3A_761, %mul3A_2, %dma_wait3A_767] : memref<50x4096x128xf32, #tpu.memory_space<hbm>> -> memref<1x128x128xf32, #tpu.memory_space<hbm>>
      %dma_wait3A_769 = tpu.memref_squeeze %dma_wait3A_768 : memref<1x128x128xf32, #tpu.memory_space<hbm>> -> memref<128x128xf32, #tpu.memory_space<hbm>>
      %dma_wait3A_770 = arith.constant 0 : i32
      %dma_wait3A_771 = tpu.memref_slice %arg4[%sub3A_761, %mul3A_2, %dma_wait3A_770] : memref<50x4096x128xf32, #tpu.memory_space<hbm>> -> memref<1x128x128xf32, #tpu.memory_space<hbm>>
      %dma_wait3A_772 = tpu.memref_squeeze %dma_wait3A_771 : memref<1x128x128xf32, #tpu.memory_space<hbm>> -> memref<128x128xf32, #tpu.memory_space<hbm>>
      %dma_wait3A_773 = arith.constant 0 : i32
      %dma_wait3A_774 = arith.constant 0 : i32
      %dma_wait3A_775 = tpu.memref_slice %arg6[%dma_wait3A_762, %dma_wait3A_773, %dma_wait3A_774] : memref<6x128x128xf32, #tpu.memory_space<vmem>> -> memref<1x128x128xf32, #tpu.memory_space<vmem>>
      %dma_wait3A_776 = tpu.memref_squeeze %dma_wait3A_775 : memref<1x128x128xf32, #tpu.memory_space<vmem>> -> memref<128x128xf32, #tpu.memory_space<vmem>>
      tpu.wait_dma2 semaphore(%arg18 : memref<!tpu.dma_semaphore, #tpu.memory_space<semaphore_mem>>) src(%dma_wait3A_776 : memref<128x128xf32, #tpu.memory_space<vmem>>) dst(%dma_wait3A_772 : memref<128x128xf32, #tpu.memory_space<hbm>>)
      %add3A_777 = arith.constant 6 : i32
      %add3A_778 = arith.addi %add3A_759, %add3A_777 : i32
      %sub3A_779 = arith.constant 1 : i32
      %sub3A_780 = arith.subi %add3A_778, %sub3A_779 : i32
      %dma_start3A_781 = arith.constant 5 : i32
      %dma_start3A_782 = arith.constant 0 : i32
      %dma_start3A_783 = arith.constant 0 : i32
      %dma_start3A_784 = tpu.memref_slice %arg6[%dma_start3A_781, %dma_start3A_782, %dma_start3A_783] : memref<6x128x128xf32, #tpu.memory_space<vmem>> -> memref<1x128x128xf32, #tpu.memory_space<vmem>>
      %dma_start3A_785 = tpu.memref_squeeze %dma_start3A_784 : memref<1x128x128xf32, #tpu.memory_space<vmem>> -> memref<128x128xf32, #tpu.memory_space<vmem>>
      %dma_start3A_786 = arith.constant 0 : i32
      %dma_start3A_787 = tpu.memref_slice %arg5[%sub3A_780, %dma_start3A_786] : memref<50x128xi32, #tpu.memory_space<vmem>> -> memref<1x128xi32, #tpu.memory_space<vmem>>
      %dma_start3A_788 = tpu.memref_squeeze %dma_start3A_787 : memref<1x128xi32, #tpu.memory_space<vmem>> -> memref<128xi32, #tpu.memory_space<vmem>>
      %dma_start3A_789 = arith.constant 0 : i32
      %dma_start3A_790 = arith.constant 0 : i32
      %dma_start3A_791 = tpu.memref_slice %arg2[%dma_start3A_789, %dma_start3A_790] : memref<100000x128xf32, #tpu.memory_space<hbm>> -> memref<100000x128xf32, #tpu.memory_space<hbm>>
      tpu.enqueue_indirect_dma source(%dma_start3A_791 : memref<100000x128xf32, #tpu.memory_space<hbm>>) target(%dma_start3A_785 : memref<128x128xf32, #tpu.memory_space<vmem>>) offsets(%dma_start3A_788 : memref<128xi32, #tpu.memory_space<vmem>>) semaphore(%arg12 : memref<!tpu.dma_semaphore, #tpu.memory_space<semaphore_mem>>)
      %dma_wait3A_792 = arith.constant 0 : i32
      %dma_wait3A_793 = arith.constant 0 : i32
      %dma_wait3A_794 = arith.constant 0 : i32
      %dma_wait3A_795 = tpu.memref_slice %arg6[%dma_wait3A_792, %dma_wait3A_793, %dma_wait3A_794] : memref<6x128x128xf32, #tpu.memory_space<vmem>> -> memref<1x128x128xf32, #tpu.memory_space<vmem>>
      %dma_wait3A_796 = tpu.memref_squeeze %dma_wait3A_795 : memref<1x128x128xf32, #tpu.memory_space<vmem>> -> memref<128x128xf32, #tpu.memory_space<vmem>>
      %dma_wait3A_797 = arith.constant 0 : i32
      %dma_wait3A_798 = tpu.memref_slice %arg5[%add3A_759, %dma_wait3A_797] : memref<50x128xi32, #tpu.memory_space<vmem>> -> memref<1x128xi32, #tpu.memory_space<vmem>>
      %dma_wait3A_799 = tpu.memref_squeeze %dma_wait3A_798 : memref<1x128xi32, #tpu.memory_space<vmem>> -> memref<128xi32, #tpu.memory_space<vmem>>
      %dma_wait3A_800 = arith.constant 0 : i32
      %dma_wait3A_801 = arith.constant 0 : i32
      %dma_wait3A_802 = tpu.memref_slice %arg2[%dma_wait3A_800, %dma_wait3A_801] : memref<100000x128xf32, #tpu.memory_space<hbm>> -> memref<100000x128xf32, #tpu.memory_space<hbm>>
      tpu.wait_indirect_dma semaphore(%arg7 : memref<!tpu.dma_semaphore, #tpu.memory_space<semaphore_mem>>) src(%dma_wait3A_802 : memref<100000x128xf32, #tpu.memory_space<hbm>>) dst(%dma_wait3A_796 : memref<128x128xf32, #tpu.memory_space<vmem>>)
      %dma_start3A_803 = arith.constant 0 : i32
      %dma_start3A_804 = arith.constant 0 : i32
      %dma_start3A_805 = arith.constant 0 : i32
      %dma_start3A_806 = tpu.memref_slice %arg6[%dma_start3A_803, %dma_start3A_804, %dma_start3A_805] : memref<6x128x128xf32, #tpu.memory_space<vmem>> -> memref<1x128x128xf32, #tpu.memory_space<vmem>>
      %dma_start3A_807 = tpu.memref_squeeze %dma_start3A_806 : memref<1x128x128xf32, #tpu.memory_space<vmem>> -> memref<128x128xf32, #tpu.memory_space<vmem>>
      %dma_start3A_808 = arith.constant 0 : i32
      %dma_start3A_809 = tpu.memref_slice %arg4[%add3A_759, %mul3A_2, %dma_start3A_808] : memref<50x4096x128xf32, #tpu.memory_space<hbm>> -> memref<1x128x128xf32, #tpu.memory_space<hbm>>
      %dma_start3A_810 = tpu.memref_squeeze %dma_start3A_809 : memref<1x128x128xf32, #tpu.memory_space<hbm>> -> memref<128x128xf32, #tpu.memory_space<hbm>>
      %dma_start3A_811 = arith.constant 0 : i32
      %dma_start3A_812 = tpu.memref_slice %arg4[%add3A_759, %mul3A_2, %dma_start3A_811] : memref<50x4096x128xf32, #tpu.memory_space<hbm>> -> memref<1x128x128xf32, #tpu.memory_space<hbm>>
      %dma_start3A_813 = tpu.memref_squeeze %dma_start3A_812 : memref<1x128x128xf32, #tpu.memory_space<hbm>> -> memref<128x128xf32, #tpu.memory_space<hbm>>
      %dma_start3A_814 = arith.constant 0 : i32
      %dma_start3A_815 = arith.constant 0 : i32
      %dma_start3A_816 = tpu.memref_slice %arg6[%dma_start3A_803, %dma_start3A_814, %dma_start3A_815] : memref<6x128x128xf32, #tpu.memory_space<vmem>> -> memref<1x128x128xf32, #tpu.memory_space<vmem>>
      %dma_start3A_817 = tpu.memref_squeeze %dma_start3A_816 : memref<1x128x128xf32, #tpu.memory_space<vmem>> -> memref<128x128xf32, #tpu.memory_space<vmem>>
      tpu.enqueue_dma source(%dma_start3A_817 : memref<128x128xf32, #tpu.memory_space<vmem>>) target(%dma_start3A_813 : memref<128x128xf32, #tpu.memory_space<hbm>>) target_semaphore(%arg13 : memref<!tpu.dma_semaphore, #tpu.memory_space<semaphore_mem>>)
    }
    %scan3A_105 = arith.constant 7 : i32
    %dma_wait3A_106 = arith.constant 0 : i32
    %dma_wait3A_107 = arith.constant 42 : i32
    %dma_wait3A_108 = arith.constant 0 : i32
    %dma_wait3A_109 = arith.constant 0 : i32
    %dma_wait3A_110 = tpu.memref_slice %arg6[%dma_wait3A_106, %dma_wait3A_108, %dma_wait3A_109] : memref<6x128x128xf32, #tpu.memory_space<vmem>> -> memref<1x128x128xf32, #tpu.memory_space<vmem>>
    %dma_wait3A_111 = tpu.memref_squeeze %dma_wait3A_110 : memref<1x128x128xf32, #tpu.memory_space<vmem>> -> memref<128x128xf32, #tpu.memory_space<vmem>>
    %dma_wait3A_112 = arith.constant 0 : i32
    %dma_wait3A_113 = tpu.memref_slice %arg4[%dma_wait3A_107, %mul3A_2, %dma_wait3A_112] : memref<50x4096x128xf32, #tpu.memory_space<hbm>> -> memref<1x128x128xf32, #tpu.memory_space<hbm>>
    %dma_wait3A_114 = tpu.memref_squeeze %dma_wait3A_113 : memref<1x128x128xf32, #tpu.memory_space<hbm>> -> memref<128x128xf32, #tpu.memory_space<hbm>>
    %dma_wait3A_115 = arith.constant 0 : i32
    %dma_wait3A_116 = tpu.memref_slice %arg4[%dma_wait3A_107, %mul3A_2, %dma_wait3A_115] : memref<50x4096x128xf32, #tpu.memory_space<hbm>> -> memref<1x128x128xf32, #tpu.memory_space<hbm>>
    %dma_wait3A_117 = tpu.memref_squeeze %dma_wait3A_116 : memref<1x128x128xf32, #tpu.memory_space<hbm>> -> memref<128x128xf32, #tpu.memory_space<hbm>>
    %dma_wait3A_118 = arith.constant 0 : i32
    %dma_wait3A_119 = arith.constant 0 : i32
    %dma_wait3A_120 = tpu.memref_slice %arg6[%dma_wait3A_106, %dma_wait3A_118, %dma_wait3A_119] : memref<6x128x128xf32, #tpu.memory_space<vmem>> -> memref<1x128x128xf32, #tpu.memory_space<vmem>>
    %dma_wait3A_121 = tpu.memref_squeeze %dma_wait3A_120 : memref<1x128x128xf32, #tpu.memory_space<vmem>> -> memref<128x128xf32, #tpu.memory_space<vmem>>
    tpu.wait_dma2 semaphore(%arg13 : memref<!tpu.dma_semaphore, #tpu.memory_space<semaphore_mem>>) src(%dma_wait3A_121 : memref<128x128xf32, #tpu.memory_space<vmem>>) dst(%dma_wait3A_117 : memref<128x128xf32, #tpu.memory_space<hbm>>)
    %dma_start3A_122 = arith.constant 48 : i32
    %dma_start3A_123 = arith.constant 0 : i32
    %dma_start3A_124 = arith.constant 0 : i32
    %dma_start3A_125 = arith.constant 0 : i32
    %dma_start3A_126 = tpu.memref_slice %arg6[%dma_start3A_123, %dma_start3A_124, %dma_start3A_125] : memref<6x128x128xf32, #tpu.memory_space<vmem>> -> memref<1x128x128xf32, #tpu.memory_space<vmem>>
    %dma_start3A_127 = tpu.memref_squeeze %dma_start3A_126 : memref<1x128x128xf32, #tpu.memory_space<vmem>> -> memref<128x128xf32, #tpu.memory_space<vmem>>
    %dma_start3A_128 = arith.constant 0 : i32
    %dma_start3A_129 = tpu.memref_slice %arg5[%dma_start3A_122, %dma_start3A_128] : memref<50x128xi32, #tpu.memory_space<vmem>> -> memref<1x128xi32, #tpu.memory_space<vmem>>
    %dma_start3A_130 = tpu.memref_squeeze %dma_start3A_129 : memref<1x128xi32, #tpu.memory_space<vmem>> -> memref<128xi32, #tpu.memory_space<vmem>>
    %dma_start3A_131 = arith.constant 0 : i32
    %dma_start3A_132 = arith.constant 0 : i32
    %dma_start3A_133 = tpu.memref_slice %arg2[%dma_start3A_131, %dma_start3A_132] : memref<100000x128xf32, #tpu.memory_space<hbm>> -> memref<100000x128xf32, #tpu.memory_space<hbm>>
    tpu.enqueue_indirect_dma source(%dma_start3A_133 : memref<100000x128xf32, #tpu.memory_space<hbm>>) target(%dma_start3A_127 : memref<128x128xf32, #tpu.memory_space<vmem>>) offsets(%dma_start3A_130 : memref<128xi32, #tpu.memory_space<vmem>>) semaphore(%arg7 : memref<!tpu.dma_semaphore, #tpu.memory_space<semaphore_mem>>)
    %dma_wait3A_134 = arith.constant 43 : i32
    %dma_wait3A_135 = arith.constant 1 : i32
    %dma_wait3A_136 = arith.constant 0 : i32
    %dma_wait3A_137 = arith.constant 0 : i32
    %dma_wait3A_138 = tpu.memref_slice %arg6[%dma_wait3A_135, %dma_wait3A_136, %dma_wait3A_137] : memref<6x128x128xf32, #tpu.memory_space<vmem>> -> memref<1x128x128xf32, #tpu.memory_space<vmem>>
    %dma_wait3A_139 = tpu.memref_squeeze %dma_wait3A_138 : memref<1x128x128xf32, #tpu.memory_space<vmem>> -> memref<128x128xf32, #tpu.memory_space<vmem>>
    %dma_wait3A_140 = arith.constant 0 : i32
    %dma_wait3A_141 = tpu.memref_slice %arg5[%dma_wait3A_134, %dma_wait3A_140] : memref<50x128xi32, #tpu.memory_space<vmem>> -> memref<1x128xi32, #tpu.memory_space<vmem>>
    %dma_wait3A_142 = tpu.memref_squeeze %dma_wait3A_141 : memref<1x128xi32, #tpu.memory_space<vmem>> -> memref<128xi32, #tpu.memory_space<vmem>>
    %dma_wait3A_143 = arith.constant 0 : i32
    %dma_wait3A_144 = arith.constant 0 : i32
    %dma_wait3A_145 = tpu.memref_slice %arg2[%dma_wait3A_143, %dma_wait3A_144] : memref<100000x128xf32, #tpu.memory_space<hbm>> -> memref<100000x128xf32, #tpu.memory_space<hbm>>
    tpu.wait_indirect_dma semaphore(%arg8 : memref<!tpu.dma_semaphore, #tpu.memory_space<semaphore_mem>>) src(%dma_wait3A_145 : memref<100000x128xf32, #tpu.memory_space<hbm>>) dst(%dma_wait3A_139 : memref<128x128xf32, #tpu.memory_space<vmem>>)
    %dma_start3A_146 = arith.constant 1 : i32
    %dma_start3A_147 = arith.constant 43 : i32
    %dma_start3A_148 = arith.constant 0 : i32
    %dma_start3A_149 = arith.constant 0 : i32
    %dma_start3A_150 = tpu.memref_slice %arg6[%dma_start3A_146, %dma_start3A_148, %dma_start3A_149] : memref<6x128x128xf32, #tpu.memory_space<vmem>> -> memref<1x128x128xf32, #tpu.memory_space<vmem>>
    %dma_start3A_151 = tpu.memref_squeeze %dma_start3A_150 : memref<1x128x128xf32, #tpu.memory_space<vmem>> -> memref<128x128xf32, #tpu.memory_space<vmem>>
    %dma_start3A_152 = arith.constant 0 : i32
    %dma_start3A_153 = tpu.memref_slice %arg4[%dma_start3A_147, %mul3A_2, %dma_start3A_152] : memref<50x4096x128xf32, #tpu.memory_space<hbm>> -> memref<1x128x128xf32, #tpu.memory_space<hbm>>
    %dma_start3A_154 = tpu.memref_squeeze %dma_start3A_153 : memref<1x128x128xf32, #tpu.memory_space<hbm>> -> memref<128x128xf32, #tpu.memory_space<hbm>>
    %dma_start3A_155 = arith.constant 0 : i32
    %dma_start3A_156 = tpu.memref_slice %arg4[%dma_start3A_147, %mul3A_2, %dma_start3A_155] : memref<50x4096x128xf32, #tpu.memory_space<hbm>> -> memref<1x128x128xf32, #tpu.memory_space<hbm>>
    %dma_start3A_157 = tpu.memref_squeeze %dma_start3A_156 : memref<1x128x128xf32, #tpu.memory_space<hbm>> -> memref<128x128xf32, #tpu.memory_space<hbm>>
    %dma_start3A_158 = arith.constant 0 : i32
    %dma_start3A_159 = arith.constant 0 : i32
    %dma_start3A_160 = tpu.memref_slice %arg6[%dma_start3A_146, %dma_start3A_158, %dma_start3A_159] : memref<6x128x128xf32, #tpu.memory_space<vmem>> -> memref<1x128x128xf32, #tpu.memory_space<vmem>>
    %dma_start3A_161 = tpu.memref_squeeze %dma_start3A_160 : memref<1x128x128xf32, #tpu.memory_space<vmem>> -> memref<128x128xf32, #tpu.memory_space<vmem>>
    tpu.enqueue_dma source(%dma_start3A_161 : memref<128x128xf32, #tpu.memory_space<vmem>>) target(%dma_start3A_157 : memref<128x128xf32, #tpu.memory_space<hbm>>) target_semaphore(%arg14 : memref<!tpu.dma_semaphore, #tpu.memory_space<semaphore_mem>>)
    %dma_wait3A_162 = arith.constant 1 : i32
    %dma_wait3A_163 = arith.constant 43 : i32
    %dma_wait3A_164 = arith.constant 0 : i32
    %dma_wait3A_165 = arith.constant 0 : i32
    %dma_wait3A_166 = tpu.memref_slice %arg6[%dma_wait3A_162, %dma_wait3A_164, %dma_wait3A_165] : memref<6x128x128xf32, #tpu.memory_space<vmem>> -> memref<1x128x128xf32, #tpu.memory_space<vmem>>
    %dma_wait3A_167 = tpu.memref_squeeze %dma_wait3A_166 : memref<1x128x128xf32, #tpu.memory_space<vmem>> -> memref<128x128xf32, #tpu.memory_space<vmem>>
    %dma_wait3A_168 = arith.constant 0 : i32
    %dma_wait3A_169 = tpu.memref_slice %arg4[%dma_wait3A_163, %mul3A_2, %dma_wait3A_168] : memref<50x4096x128xf32, #tpu.memory_space<hbm>> -> memref<1x128x128xf32, #tpu.memory_space<hbm>>
    %dma_wait3A_170 = tpu.memref_squeeze %dma_wait3A_169 : memref<1x128x128xf32, #tpu.memory_space<hbm>> -> memref<128x128xf32, #tpu.memory_space<hbm>>
    %dma_wait3A_171 = arith.constant 0 : i32
    %dma_wait3A_172 = tpu.memref_slice %arg4[%dma_wait3A_163, %mul3A_2, %dma_wait3A_171] : memref<50x4096x128xf32, #tpu.memory_space<hbm>> -> memref<1x128x128xf32, #tpu.memory_space<hbm>>
    %dma_wait3A_173 = tpu.memref_squeeze %dma_wait3A_172 : memref<1x128x128xf32, #tpu.memory_space<hbm>> -> memref<128x128xf32, #tpu.memory_space<hbm>>
    %dma_wait3A_174 = arith.constant 0 : i32
    %dma_wait3A_175 = arith.constant 0 : i32
    %dma_wait3A_176 = tpu.memref_slice %arg6[%dma_wait3A_162, %dma_wait3A_174, %dma_wait3A_175] : memref<6x128x128xf32, #tpu.memory_space<vmem>> -> memref<1x128x128xf32, #tpu.memory_space<vmem>>
    %dma_wait3A_177 = tpu.memref_squeeze %dma_wait3A_176 : memref<1x128x128xf32, #tpu.memory_space<vmem>> -> memref<128x128xf32, #tpu.memory_space<vmem>>
    tpu.wait_dma2 semaphore(%arg14 : memref<!tpu.dma_semaphore, #tpu.memory_space<semaphore_mem>>) src(%dma_wait3A_177 : memref<128x128xf32, #tpu.memory_space<vmem>>) dst(%dma_wait3A_173 : memref<128x128xf32, #tpu.memory_space<hbm>>)
    %dma_start3A_178 = arith.constant 49 : i32
    %dma_start3A_179 = arith.constant 1 : i32
    %dma_start3A_180 = arith.constant 0 : i32
    %dma_start3A_181 = arith.constant 0 : i32
    %dma_start3A_182 = tpu.memref_slice %arg6[%dma_start3A_179, %dma_start3A_180, %dma_start3A_181] : memref<6x128x128xf32, #tpu.memory_space<vmem>> -> memref<1x128x128xf32, #tpu.memory_space<vmem>>
    %dma_start3A_183 = tpu.memref_squeeze %dma_start3A_182 : memref<1x128x128xf32, #tpu.memory_space<vmem>> -> memref<128x128xf32, #tpu.memory_space<vmem>>
    %dma_start3A_184 = arith.constant 0 : i32
    %dma_start3A_185 = tpu.memref_slice %arg5[%dma_start3A_178, %dma_start3A_184] : memref<50x128xi32, #tpu.memory_space<vmem>> -> memref<1x128xi32, #tpu.memory_space<vmem>>
    %dma_start3A_186 = tpu.memref_squeeze %dma_start3A_185 : memref<1x128xi32, #tpu.memory_space<vmem>> -> memref<128xi32, #tpu.memory_space<vmem>>
    %dma_start3A_187 = arith.constant 0 : i32
    %dma_start3A_188 = arith.constant 0 : i32
    %dma_start3A_189 = tpu.memref_slice %arg2[%dma_start3A_187, %dma_start3A_188] : memref<100000x128xf32, #tpu.memory_space<hbm>> -> memref<100000x128xf32, #tpu.memory_space<hbm>>
    tpu.enqueue_indirect_dma source(%dma_start3A_189 : memref<100000x128xf32, #tpu.memory_space<hbm>>) target(%dma_start3A_183 : memref<128x128xf32, #tpu.memory_space<vmem>>) offsets(%dma_start3A_186 : memref<128xi32, #tpu.memory_space<vmem>>) semaphore(%arg8 : memref<!tpu.dma_semaphore, #tpu.memory_space<semaphore_mem>>)
    %dma_wait3A_190 = arith.constant 44 : i32
    %dma_wait3A_191 = arith.constant 2 : i32
    %dma_wait3A_192 = arith.constant 0 : i32
    %dma_wait3A_193 = arith.constant 0 : i32
    %dma_wait3A_194 = tpu.memref_slice %arg6[%dma_wait3A_191, %dma_wait3A_192, %dma_wait3A_193] : memref<6x128x128xf32, #tpu.memory_space<vmem>> -> memref<1x128x128xf32, #tpu.memory_space<vmem>>
    %dma_wait3A_195 = tpu.memref_squeeze %dma_wait3A_194 : memref<1x128x128xf32, #tpu.memory_space<vmem>> -> memref<128x128xf32, #tpu.memory_space<vmem>>
    %dma_wait3A_196 = arith.constant 0 : i32
    %dma_wait3A_197 = tpu.memref_slice %arg5[%dma_wait3A_190, %dma_wait3A_196] : memref<50x128xi32, #tpu.memory_space<vmem>> -> memref<1x128xi32, #tpu.memory_space<vmem>>
    %dma_wait3A_198 = tpu.memref_squeeze %dma_wait3A_197 : memref<1x128xi32, #tpu.memory_space<vmem>> -> memref<128xi32, #tpu.memory_space<vmem>>
    %dma_wait3A_199 = arith.constant 0 : i32
    %dma_wait3A_200 = arith.constant 0 : i32
    %dma_wait3A_201 = tpu.memref_slice %arg2[%dma_wait3A_199, %dma_wait3A_200] : memref<100000x128xf32, #tpu.memory_space<hbm>> -> memref<100000x128xf32, #tpu.memory_space<hbm>>
    tpu.wait_indirect_dma semaphore(%arg9 : memref<!tpu.dma_semaphore, #tpu.memory_space<semaphore_mem>>) src(%dma_wait3A_201 : memref<100000x128xf32, #tpu.memory_space<hbm>>) dst(%dma_wait3A_195 : memref<128x128xf32, #tpu.memory_space<vmem>>)
    %dma_start3A_202 = arith.constant 2 : i32
    %dma_start3A_203 = arith.constant 44 : i32
    %dma_start3A_204 = arith.constant 0 : i32
    %dma_start3A_205 = arith.constant 0 : i32
    %dma_start3A_206 = tpu.memref_slice %arg6[%dma_start3A_202, %dma_start3A_204, %dma_start3A_205] : memref<6x128x128xf32, #tpu.memory_space<vmem>> -> memref<1x128x128xf32, #tpu.memory_space<vmem>>
    %dma_start3A_207 = tpu.memref_squeeze %dma_start3A_206 : memref<1x128x128xf32, #tpu.memory_space<vmem>> -> memref<128x128xf32, #tpu.memory_space<vmem>>
    %dma_start3A_208 = arith.constant 0 : i32
    %dma_start3A_209 = tpu.memref_slice %arg4[%dma_start3A_203, %mul3A_2, %dma_start3A_208] : memref<50x4096x128xf32, #tpu.memory_space<hbm>> -> memref<1x128x128xf32, #tpu.memory_space<hbm>>
    %dma_start3A_210 = tpu.memref_squeeze %dma_start3A_209 : memref<1x128x128xf32, #tpu.memory_space<hbm>> -> memref<128x128xf32, #tpu.memory_space<hbm>>
    %dma_start3A_211 = arith.constant 0 : i32
    %dma_start3A_212 = tpu.memref_slice %arg4[%dma_start3A_203, %mul3A_2, %dma_start3A_211] : memref<50x4096x128xf32, #tpu.memory_space<hbm>> -> memref<1x128x128xf32, #tpu.memory_space<hbm>>
    %dma_start3A_213 = tpu.memref_squeeze %dma_start3A_212 : memref<1x128x128xf32, #tpu.memory_space<hbm>> -> memref<128x128xf32, #tpu.memory_space<hbm>>
    %dma_start3A_214 = arith.constant 0 : i32
    %dma_start3A_215 = arith.constant 0 : i32
    %dma_start3A_216 = tpu.memref_slice %arg6[%dma_start3A_202, %dma_start3A_214, %dma_start3A_215] : memref<6x128x128xf32, #tpu.memory_space<vmem>> -> memref<1x128x128xf32, #tpu.memory_space<vmem>>
    %dma_start3A_217 = tpu.memref_squeeze %dma_start3A_216 : memref<1x128x128xf32, #tpu.memory_space<vmem>> -> memref<128x128xf32, #tpu.memory_space<vmem>>
    tpu.enqueue_dma source(%dma_start3A_217 : memref<128x128xf32, #tpu.memory_space<vmem>>) target(%dma_start3A_213 : memref<128x128xf32, #tpu.memory_space<hbm>>) target_semaphore(%arg15 : memref<!tpu.dma_semaphore, #tpu.memory_space<semaphore_mem>>)
    %dma_wait3A_218 = arith.constant 2 : i32
    %dma_wait3A_219 = arith.constant 44 : i32
    %dma_wait3A_220 = arith.constant 0 : i32
    %dma_wait3A_221 = arith.constant 0 : i32
    %dma_wait3A_222 = tpu.memref_slice %arg6[%dma_wait3A_218, %dma_wait3A_220, %dma_wait3A_221] : memref<6x128x128xf32, #tpu.memory_space<vmem>> -> memref<1x128x128xf32, #tpu.memory_space<vmem>>
    %dma_wait3A_223 = tpu.memref_squeeze %dma_wait3A_222 : memref<1x128x128xf32, #tpu.memory_space<vmem>> -> memref<128x128xf32, #tpu.memory_space<vmem>>
    %dma_wait3A_224 = arith.constant 0 : i32
    %dma_wait3A_225 = tpu.memref_slice %arg4[%dma_wait3A_219, %mul3A_2, %dma_wait3A_224] : memref<50x4096x128xf32, #tpu.memory_space<hbm>> -> memref<1x128x128xf32, #tpu.memory_space<hbm>>
    %dma_wait3A_226 = tpu.memref_squeeze %dma_wait3A_225 : memref<1x128x128xf32, #tpu.memory_space<hbm>> -> memref<128x128xf32, #tpu.memory_space<hbm>>
    %dma_wait3A_227 = arith.constant 0 : i32
    %dma_wait3A_228 = tpu.memref_slice %arg4[%dma_wait3A_219, %mul3A_2, %dma_wait3A_227] : memref<50x4096x128xf32, #tpu.memory_space<hbm>> -> memref<1x128x128xf32, #tpu.memory_space<hbm>>
    %dma_wait3A_229 = tpu.memref_squeeze %dma_wait3A_228 : memref<1x128x128xf32, #tpu.memory_space<hbm>> -> memref<128x128xf32, #tpu.memory_space<hbm>>
    %dma_wait3A_230 = arith.constant 0 : i32
    %dma_wait3A_231 = arith.constant 0 : i32
    %dma_wait3A_232 = tpu.memref_slice %arg6[%dma_wait3A_218, %dma_wait3A_230, %dma_wait3A_231] : memref<6x128x128xf32, #tpu.memory_space<vmem>> -> memref<1x128x128xf32, #tpu.memory_space<vmem>>
    %dma_wait3A_233 = tpu.memref_squeeze %dma_wait3A_232 : memref<1x128x128xf32, #tpu.memory_space<vmem>> -> memref<128x128xf32, #tpu.memory_space<vmem>>
    tpu.wait_dma2 semaphore(%arg15 : memref<!tpu.dma_semaphore, #tpu.memory_space<semaphore_mem>>) src(%dma_wait3A_233 : memref<128x128xf32, #tpu.memory_space<vmem>>) dst(%dma_wait3A_229 : memref<128x128xf32, #tpu.memory_space<hbm>>)
    %dma_wait3A_234 = arith.constant 45 : i32
    %dma_wait3A_235 = arith.constant 3 : i32
    %dma_wait3A_236 = arith.constant 0 : i32
    %dma_wait3A_237 = arith.constant 0 : i32
    %dma_wait3A_238 = tpu.memref_slice %arg6[%dma_wait3A_235, %dma_wait3A_236, %dma_wait3A_237] : memref<6x128x128xf32, #tpu.memory_space<vmem>> -> memref<1x128x128xf32, #tpu.memory_space<vmem>>
    %dma_wait3A_239 = tpu.memref_squeeze %dma_wait3A_238 : memref<1x128x128xf32, #tpu.memory_space<vmem>> -> memref<128x128xf32, #tpu.memory_space<vmem>>
    %dma_wait3A_240 = arith.constant 0 : i32
    %dma_wait3A_241 = tpu.memref_slice %arg5[%dma_wait3A_234, %dma_wait3A_240] : memref<50x128xi32, #tpu.memory_space<vmem>> -> memref<1x128xi32, #tpu.memory_space<vmem>>
    %dma_wait3A_242 = tpu.memref_squeeze %dma_wait3A_241 : memref<1x128xi32, #tpu.memory_space<vmem>> -> memref<128xi32, #tpu.memory_space<vmem>>
    %dma_wait3A_243 = arith.constant 0 : i32
    %dma_wait3A_244 = arith.constant 0 : i32
    %dma_wait3A_245 = tpu.memref_slice %arg2[%dma_wait3A_243, %dma_wait3A_244] : memref<100000x128xf32, #tpu.memory_space<hbm>> -> memref<100000x128xf32, #tpu.memory_space<hbm>>
    tpu.wait_indirect_dma semaphore(%arg10 : memref<!tpu.dma_semaphore, #tpu.memory_space<semaphore_mem>>) src(%dma_wait3A_245 : memref<100000x128xf32, #tpu.memory_space<hbm>>) dst(%dma_wait3A_239 : memref<128x128xf32, #tpu.memory_space<vmem>>)
    %dma_start3A_246 = arith.constant 3 : i32
    %dma_start3A_247 = arith.constant 45 : i32
    %dma_start3A_248 = arith.constant 0 : i32
    %dma_start3A_249 = arith.constant 0 : i32
    %dma_start3A_250 = tpu.memref_slice %arg6[%dma_start3A_246, %dma_start3A_248, %dma_start3A_249] : memref<6x128x128xf32, #tpu.memory_space<vmem>> -> memref<1x128x128xf32, #tpu.memory_space<vmem>>
    %dma_start3A_251 = tpu.memref_squeeze %dma_start3A_250 : memref<1x128x128xf32, #tpu.memory_space<vmem>> -> memref<128x128xf32, #tpu.memory_space<vmem>>
    %dma_start3A_252 = arith.constant 0 : i32
    %dma_start3A_253 = tpu.memref_slice %arg4[%dma_start3A_247, %mul3A_2, %dma_start3A_252] : memref<50x4096x128xf32, #tpu.memory_space<hbm>> -> memref<1x128x128xf32, #tpu.memory_space<hbm>>
    %dma_start3A_254 = tpu.memref_squeeze %dma_start3A_253 : memref<1x128x128xf32, #tpu.memory_space<hbm>> -> memref<128x128xf32, #tpu.memory_space<hbm>>
    %dma_start3A_255 = arith.constant 0 : i32
    %dma_start3A_256 = tpu.memref_slice %arg4[%dma_start3A_247, %mul3A_2, %dma_start3A_255] : memref<50x4096x128xf32, #tpu.memory_space<hbm>> -> memref<1x128x128xf32, #tpu.memory_space<hbm>>
    %dma_start3A_257 = tpu.memref_squeeze %dma_start3A_256 : memref<1x128x128xf32, #tpu.memory_space<hbm>> -> memref<128x128xf32, #tpu.memory_space<hbm>>
    %dma_start3A_258 = arith.constant 0 : i32
    %dma_start3A_259 = arith.constant 0 : i32
    %dma_start3A_260 = tpu.memref_slice %arg6[%dma_start3A_246, %dma_start3A_258, %dma_start3A_259] : memref<6x128x128xf32, #tpu.memory_space<vmem>> -> memref<1x128x128xf32, #tpu.memory_space<vmem>>
    %dma_start3A_261 = tpu.memref_squeeze %dma_start3A_260 : memref<1x128x128xf32, #tpu.memory_space<vmem>> -> memref<128x128xf32, #tpu.memory_space<vmem>>
    tpu.enqueue_dma source(%dma_start3A_261 : memref<128x128xf32, #tpu.memory_space<vmem>>) target(%dma_start3A_257 : memref<128x128xf32, #tpu.memory_space<hbm>>) target_semaphore(%arg16 : memref<!tpu.dma_semaphore, #tpu.memory_space<semaphore_mem>>)
    %dma_wait3A_262 = arith.constant 3 : i32
    %dma_wait3A_263 = arith.constant 45 : i32
    %dma_wait3A_264 = arith.constant 0 : i32
    %dma_wait3A_265 = arith.constant 0 : i32
    %dma_wait3A_266 = tpu.memref_slice %arg6[%dma_wait3A_262, %dma_wait3A_264, %dma_wait3A_265] : memref<6x128x128xf32, #tpu.memory_space<vmem>> -> memref<1x128x128xf32, #tpu.memory_space<vmem>>
    %dma_wait3A_267 = tpu.memref_squeeze %dma_wait3A_266 : memref<1x128x128xf32, #tpu.memory_space<vmem>> -> memref<128x128xf32, #tpu.memory_space<vmem>>
    %dma_wait3A_268 = arith.constant 0 : i32
    %dma_wait3A_269 = tpu.memref_slice %arg4[%dma_wait3A_263, %mul3A_2, %dma_wait3A_268] : memref<50x4096x128xf32, #tpu.memory_space<hbm>> -> memref<1x128x128xf32, #tpu.memory_space<hbm>>
    %dma_wait3A_270 = tpu.memref_squeeze %dma_wait3A_269 : memref<1x128x128xf32, #tpu.memory_space<hbm>> -> memref<128x128xf32, #tpu.memory_space<hbm>>
    %dma_wait3A_271 = arith.constant 0 : i32
    %dma_wait3A_272 = tpu.memref_slice %arg4[%dma_wait3A_263, %mul3A_2, %dma_wait3A_271] : memref<50x4096x128xf32, #tpu.memory_space<hbm>> -> memref<1x128x128xf32, #tpu.memory_space<hbm>>
    %dma_wait3A_273 = tpu.memref_squeeze %dma_wait3A_272 : memref<1x128x128xf32, #tpu.memory_space<hbm>> -> memref<128x128xf32, #tpu.memory_space<hbm>>
    %dma_wait3A_274 = arith.constant 0 : i32
    %dma_wait3A_275 = arith.constant 0 : i32
    %dma_wait3A_276 = tpu.memref_slice %arg6[%dma_wait3A_262, %dma_wait3A_274, %dma_wait3A_275] : memref<6x128x128xf32, #tpu.memory_space<vmem>> -> memref<1x128x128xf32, #tpu.memory_space<vmem>>
    %dma_wait3A_277 = tpu.memref_squeeze %dma_wait3A_276 : memref<1x128x128xf32, #tpu.memory_space<vmem>> -> memref<128x128xf32, #tpu.memory_space<vmem>>
    tpu.wait_dma2 semaphore(%arg16 : memref<!tpu.dma_semaphore, #tpu.memory_space<semaphore_mem>>) src(%dma_wait3A_277 : memref<128x128xf32, #tpu.memory_space<vmem>>) dst(%dma_wait3A_273 : memref<128x128xf32, #tpu.memory_space<hbm>>)
    %dma_wait3A_278 = arith.constant 46 : i32
    %dma_wait3A_279 = arith.constant 4 : i32
    %dma_wait3A_280 = arith.constant 0 : i32
    %dma_wait3A_281 = arith.constant 0 : i32
    %dma_wait3A_282 = tpu.memref_slice %arg6[%dma_wait3A_279, %dma_wait3A_280, %dma_wait3A_281] : memref<6x128x128xf32, #tpu.memory_space<vmem>> -> memref<1x128x128xf32, #tpu.memory_space<vmem>>
    %dma_wait3A_283 = tpu.memref_squeeze %dma_wait3A_282 : memref<1x128x128xf32, #tpu.memory_space<vmem>> -> memref<128x128xf32, #tpu.memory_space<vmem>>
    %dma_wait3A_284 = arith.constant 0 : i32
    %dma_wait3A_285 = tpu.memref_slice %arg5[%dma_wait3A_278, %dma_wait3A_284] : memref<50x128xi32, #tpu.memory_space<vmem>> -> memref<1x128xi32, #tpu.memory_space<vmem>>
    %dma_wait3A_286 = tpu.memref_squeeze %dma_wait3A_285 : memref<1x128xi32, #tpu.memory_space<vmem>> -> memref<128xi32, #tpu.memory_space<vmem>>
    %dma_wait3A_287 = arith.constant 0 : i32
    %dma_wait3A_288 = arith.constant 0 : i32
    %dma_wait3A_289 = tpu.memref_slice %arg2[%dma_wait3A_287, %dma_wait3A_288] : memref<100000x128xf32, #tpu.memory_space<hbm>> -> memref<100000x128xf32, #tpu.memory_space<hbm>>
    tpu.wait_indirect_dma semaphore(%arg11 : memref<!tpu.dma_semaphore, #tpu.memory_space<semaphore_mem>>) src(%dma_wait3A_289 : memref<100000x128xf32, #tpu.memory_space<hbm>>) dst(%dma_wait3A_283 : memref<128x128xf32, #tpu.memory_space<vmem>>)
    %dma_start3A_290 = arith.constant 4 : i32
    %dma_start3A_291 = arith.constant 46 : i32
    %dma_start3A_292 = arith.constant 0 : i32
    %dma_start3A_293 = arith.constant 0 : i32
    %dma_start3A_294 = tpu.memref_slice %arg6[%dma_start3A_290, %dma_start3A_292, %dma_start3A_293] : memref<6x128x128xf32, #tpu.memory_space<vmem>> -> memref<1x128x128xf32, #tpu.memory_space<vmem>>
    %dma_start3A_295 = tpu.memref_squeeze %dma_start3A_294 : memref<1x128x128xf32, #tpu.memory_space<vmem>> -> memref<128x128xf32, #tpu.memory_space<vmem>>
    %dma_start3A_296 = arith.constant 0 : i32
    %dma_start3A_297 = tpu.memref_slice %arg4[%dma_start3A_291, %mul3A_2, %dma_start3A_296] : memref<50x4096x128xf32, #tpu.memory_space<hbm>> -> memref<1x128x128xf32, #tpu.memory_space<hbm>>
    %dma_start3A_298 = tpu.memref_squeeze %dma_start3A_297 : memref<1x128x128xf32, #tpu.memory_space<hbm>> -> memref<128x128xf32, #tpu.memory_space<hbm>>
    %dma_start3A_299 = arith.constant 0 : i32
    %dma_start3A_300 = tpu.memref_slice %arg4[%dma_start3A_291, %mul3A_2, %dma_start3A_299] : memref<50x4096x128xf32, #tpu.memory_space<hbm>> -> memref<1x128x128xf32, #tpu.memory_space<hbm>>
    %dma_start3A_301 = tpu.memref_squeeze %dma_start3A_300 : memref<1x128x128xf32, #tpu.memory_space<hbm>> -> memref<128x128xf32, #tpu.memory_space<hbm>>
    %dma_start3A_302 = arith.constant 0 : i32
    %dma_start3A_303 = arith.constant 0 : i32
    %dma_start3A_304 = tpu.memref_slice %arg6[%dma_start3A_290, %dma_start3A_302, %dma_start3A_303] : memref<6x128x128xf32, #tpu.memory_space<vmem>> -> memref<1x128x128xf32, #tpu.memory_space<vmem>>
    %dma_start3A_305 = tpu.memref_squeeze %dma_start3A_304 : memref<1x128x128xf32, #tpu.memory_space<vmem>> -> memref<128x128xf32, #tpu.memory_space<vmem>>
    tpu.enqueue_dma source(%dma_start3A_305 : memref<128x128xf32, #tpu.memory_space<vmem>>) target(%dma_start3A_301 : memref<128x128xf32, #tpu.memory_space<hbm>>) target_semaphore(%arg17 : memref<!tpu.dma_semaphore, #tpu.memory_space<semaphore_mem>>)
    %dma_wait3A_306 = arith.constant 4 : i32
    %dma_wait3A_307 = arith.constant 46 : i32
    %dma_wait3A_308 = arith.constant 0 : i32
    %dma_wait3A_309 = arith.constant 0 : i32
    %dma_wait3A_310 = tpu.memref_slice %arg6[%dma_wait3A_306, %dma_wait3A_308, %dma_wait3A_309] : memref<6x128x128xf32, #tpu.memory_space<vmem>> -> memref<1x128x128xf32, #tpu.memory_space<vmem>>
    %dma_wait3A_311 = tpu.memref_squeeze %dma_wait3A_310 : memref<1x128x128xf32, #tpu.memory_space<vmem>> -> memref<128x128xf32, #tpu.memory_space<vmem>>
    %dma_wait3A_312 = arith.constant 0 : i32
    %dma_wait3A_313 = tpu.memref_slice %arg4[%dma_wait3A_307, %mul3A_2, %dma_wait3A_312] : memref<50x4096x128xf32, #tpu.memory_space<hbm>> -> memref<1x128x128xf32, #tpu.memory_space<hbm>>
    %dma_wait3A_314 = tpu.memref_squeeze %dma_wait3A_313 : memref<1x128x128xf32, #tpu.memory_space<hbm>> -> memref<128x128xf32, #tpu.memory_space<hbm>>
    %dma_wait3A_315 = arith.constant 0 : i32
    %dma_wait3A_316 = tpu.memref_slice %arg4[%dma_wait3A_307, %mul3A_2, %dma_wait3A_315] : memref<50x4096x128xf32, #tpu.memory_space<hbm>> -> memref<1x128x128xf32, #tpu.memory_space<hbm>>
    %dma_wait3A_317 = tpu.memref_squeeze %dma_wait3A_316 : memref<1x128x128xf32, #tpu.memory_space<hbm>> -> memref<128x128xf32, #tpu.memory_space<hbm>>
    %dma_wait3A_318 = arith.constant 0 : i32
    %dma_wait3A_319 = arith.constant 0 : i32
    %dma_wait3A_320 = tpu.memref_slice %arg6[%dma_wait3A_306, %dma_wait3A_318, %dma_wait3A_319] : memref<6x128x128xf32, #tpu.memory_space<vmem>> -> memref<1x128x128xf32, #tpu.memory_space<vmem>>
    %dma_wait3A_321 = tpu.memref_squeeze %dma_wait3A_320 : memref<1x128x128xf32, #tpu.memory_space<vmem>> -> memref<128x128xf32, #tpu.memory_space<vmem>>
    tpu.wait_dma2 semaphore(%arg17 : memref<!tpu.dma_semaphore, #tpu.memory_space<semaphore_mem>>) src(%dma_wait3A_321 : memref<128x128xf32, #tpu.memory_space<vmem>>) dst(%dma_wait3A_317 : memref<128x128xf32, #tpu.memory_space<hbm>>)
    %dma_wait3A_322 = arith.constant 47 : i32
    %dma_wait3A_323 = arith.constant 5 : i32
    %dma_wait3A_324 = arith.constant 0 : i32
    %dma_wait3A_325 = arith.constant 0 : i32
    %dma_wait3A_326 = tpu.memref_slice %arg6[%dma_wait3A_323, %dma_wait3A_324, %dma_wait3A_325] : memref<6x128x128xf32, #tpu.memory_space<vmem>> -> memref<1x128x128xf32, #tpu.memory_space<vmem>>
    %dma_wait3A_327 = tpu.memref_squeeze %dma_wait3A_326 : memref<1x128x128xf32, #tpu.memory_space<vmem>> -> memref<128x128xf32, #tpu.memory_space<vmem>>
    %dma_wait3A_328 = arith.constant 0 : i32
    %dma_wait3A_329 = tpu.memref_slice %arg5[%dma_wait3A_322, %dma_wait3A_328] : memref<50x128xi32, #tpu.memory_space<vmem>> -> memref<1x128xi32, #tpu.memory_space<vmem>>
    %dma_wait3A_330 = tpu.memref_squeeze %dma_wait3A_329 : memref<1x128xi32, #tpu.memory_space<vmem>> -> memref<128xi32, #tpu.memory_space<vmem>>
    %dma_wait3A_331 = arith.constant 0 : i32
    %dma_wait3A_332 = arith.constant 0 : i32
    %dma_wait3A_333 = tpu.memref_slice %arg2[%dma_wait3A_331, %dma_wait3A_332] : memref<100000x128xf32, #tpu.memory_space<hbm>> -> memref<100000x128xf32, #tpu.memory_space<hbm>>
    tpu.wait_indirect_dma semaphore(%arg12 : memref<!tpu.dma_semaphore, #tpu.memory_space<semaphore_mem>>) src(%dma_wait3A_333 : memref<100000x128xf32, #tpu.memory_space<hbm>>) dst(%dma_wait3A_327 : memref<128x128xf32, #tpu.memory_space<vmem>>)
    %dma_start3A_334 = arith.constant 5 : i32
    %dma_start3A_335 = arith.constant 47 : i32
    %dma_start3A_336 = arith.constant 0 : i32
    %dma_start3A_337 = arith.constant 0 : i32
    %dma_start3A_338 = tpu.memref_slice %arg6[%dma_start3A_334, %dma_start3A_336, %dma_start3A_337] : memref<6x128x128xf32, #tpu.memory_space<vmem>> -> memref<1x128x128xf32, #tpu.memory_space<vmem>>
    %dma_start3A_339 = tpu.memref_squeeze %dma_start3A_338 : memref<1x128x128xf32, #tpu.memory_space<vmem>> -> memref<128x128xf32, #tpu.memory_space<vmem>>
    %dma_start3A_340 = arith.constant 0 : i32
    %dma_start3A_341 = tpu.memref_slice %arg4[%dma_start3A_335, %mul3A_2, %dma_start3A_340] : memref<50x4096x128xf32, #tpu.memory_space<hbm>> -> memref<1x128x128xf32, #tpu.memory_space<hbm>>
    %dma_start3A_342 = tpu.memref_squeeze %dma_start3A_341 : memref<1x128x128xf32, #tpu.memory_space<hbm>> -> memref<128x128xf32, #tpu.memory_space<hbm>>
    %dma_start3A_343 = arith.constant 0 : i32
    %dma_start3A_344 = tpu.memref_slice %arg4[%dma_start3A_335, %mul3A_2, %dma_start3A_343] : memref<50x4096x128xf32, #tpu.memory_space<hbm>> -> memref<1x128x128xf32, #tpu.memory_space<hbm>>
    %dma_start3A_345 = tpu.memref_squeeze %dma_start3A_344 : memref<1x128x128xf32, #tpu.memory_space<hbm>> -> memref<128x128xf32, #tpu.memory_space<hbm>>
    %dma_start3A_346 = arith.constant 0 : i32
    %dma_start3A_347 = arith.constant 0 : i32
    %dma_start3A_348 = tpu.memref_slice %arg6[%dma_start3A_334, %dma_start3A_346, %dma_start3A_347] : memref<6x128x128xf32, #tpu.memory_space<vmem>> -> memref<1x128x128xf32, #tpu.memory_space<vmem>>
    %dma_start3A_349 = tpu.memref_squeeze %dma_start3A_348 : memref<1x128x128xf32, #tpu.memory_space<vmem>> -> memref<128x128xf32, #tpu.memory_space<vmem>>
    tpu.enqueue_dma source(%dma_start3A_349 : memref<128x128xf32, #tpu.memory_space<vmem>>) target(%dma_start3A_345 : memref<128x128xf32, #tpu.memory_space<hbm>>) target_semaphore(%arg18 : memref<!tpu.dma_semaphore, #tpu.memory_space<semaphore_mem>>)
    %dma_wait3A_350 = arith.constant 5 : i32
    %dma_wait3A_351 = arith.constant 47 : i32
    %dma_wait3A_352 = arith.constant 0 : i32
    %dma_wait3A_353 = arith.constant 0 : i32
    %dma_wait3A_354 = tpu.memref_slice %arg6[%dma_wait3A_350, %dma_wait3A_352, %dma_wait3A_353] : memref<6x128x128xf32, #tpu.memory_space<vmem>> -> memref<1x128x128xf32, #tpu.memory_space<vmem>>
    %dma_wait3A_355 = tpu.memref_squeeze %dma_wait3A_354 : memref<1x128x128xf32, #tpu.memory_space<vmem>> -> memref<128x128xf32, #tpu.memory_space<vmem>>
    %dma_wait3A_356 = arith.constant 0 : i32
    %dma_wait3A_357 = tpu.memref_slice %arg4[%dma_wait3A_351, %mul3A_2, %dma_wait3A_356] : memref<50x4096x128xf32, #tpu.memory_space<hbm>> -> memref<1x128x128xf32, #tpu.memory_space<hbm>>
    %dma_wait3A_358 = tpu.memref_squeeze %dma_wait3A_357 : memref<1x128x128xf32, #tpu.memory_space<hbm>> -> memref<128x128xf32, #tpu.memory_space<hbm>>
    %dma_wait3A_359 = arith.constant 0 : i32
    %dma_wait3A_360 = tpu.memref_slice %arg4[%dma_wait3A_351, %mul3A_2, %dma_wait3A_359] : memref<50x4096x128xf32, #tpu.memory_space<hbm>> -> memref<1x128x128xf32, #tpu.memory_space<hbm>>
    %dma_wait3A_361 = tpu.memref_squeeze %dma_wait3A_360 : memref<1x128x128xf32, #tpu.memory_space<hbm>> -> memref<128x128xf32, #tpu.memory_space<hbm>>
    %dma_wait3A_362 = arith.constant 0 : i32
    %dma_wait3A_363 = arith.constant 0 : i32
    %dma_wait3A_364 = tpu.memref_slice %arg6[%dma_wait3A_350, %dma_wait3A_362, %dma_wait3A_363] : memref<6x128x128xf32, #tpu.memory_space<vmem>> -> memref<1x128x128xf32, #tpu.memory_space<vmem>>
    %dma_wait3A_365 = tpu.memref_squeeze %dma_wait3A_364 : memref<1x128x128xf32, #tpu.memory_space<vmem>> -> memref<128x128xf32, #tpu.memory_space<vmem>>
    tpu.wait_dma2 semaphore(%arg18 : memref<!tpu.dma_semaphore, #tpu.memory_space<semaphore_mem>>) src(%dma_wait3A_365 : memref<128x128xf32, #tpu.memory_space<vmem>>) dst(%dma_wait3A_361 : memref<128x128xf32, #tpu.memory_space<hbm>>)
    %dma_wait3A_366 = arith.constant 48 : i32
    %dma_wait3A_367 = arith.constant 0 : i32
    %dma_wait3A_368 = arith.constant 0 : i32
    %dma_wait3A_369 = arith.constant 0 : i32
    %dma_wait3A_370 = tpu.memref_slice %arg6[%dma_wait3A_367, %dma_wait3A_368, %dma_wait3A_369] : memref<6x128x128xf32, #tpu.memory_space<vmem>> -> memref<1x128x128xf32, #tpu.memory_space<vmem>>
    %dma_wait3A_371 = tpu.memref_squeeze %dma_wait3A_370 : memref<1x128x128xf32, #tpu.memory_space<vmem>> -> memref<128x128xf32, #tpu.memory_space<vmem>>
    %dma_wait3A_372 = arith.constant 0 : i32
    %dma_wait3A_373 = tpu.memref_slice %arg5[%dma_wait3A_366, %dma_wait3A_372] : memref<50x128xi32, #tpu.memory_space<vmem>> -> memref<1x128xi32, #tpu.memory_space<vmem>>
    %dma_wait3A_374 = tpu.memref_squeeze %dma_wait3A_373 : memref<1x128xi32, #tpu.memory_space<vmem>> -> memref<128xi32, #tpu.memory_space<vmem>>
    %dma_wait3A_375 = arith.constant 0 : i32
    %dma_wait3A_376 = arith.constant 0 : i32
    %dma_wait3A_377 = tpu.memref_slice %arg2[%dma_wait3A_375, %dma_wait3A_376] : memref<100000x128xf32, #tpu.memory_space<hbm>> -> memref<100000x128xf32, #tpu.memory_space<hbm>>
    tpu.wait_indirect_dma semaphore(%arg7 : memref<!tpu.dma_semaphore, #tpu.memory_space<semaphore_mem>>) src(%dma_wait3A_377 : memref<100000x128xf32, #tpu.memory_space<hbm>>) dst(%dma_wait3A_371 : memref<128x128xf32, #tpu.memory_space<vmem>>)
    %dma_start3A_378 = arith.constant 0 : i32
    %dma_start3A_379 = arith.constant 48 : i32
    %dma_start3A_380 = arith.constant 0 : i32
    %dma_start3A_381 = arith.constant 0 : i32
    %dma_start3A_382 = tpu.memref_slice %arg6[%dma_start3A_378, %dma_start3A_380, %dma_start3A_381] : memref<6x128x128xf32, #tpu.memory_space<vmem>> -> memref<1x128x128xf32, #tpu.memory_space<vmem>>
    %dma_start3A_383 = tpu.memref_squeeze %dma_start3A_382 : memref<1x128x128xf32, #tpu.memory_space<vmem>> -> memref<128x128xf32, #tpu.memory_space<vmem>>
    %dma_start3A_384 = arith.constant 0 : i32
    %dma_start3A_385 = tpu.memref_slice %arg4[%dma_start3A_379, %mul3A_2, %dma_start3A_384] : memref<50x4096x128xf32, #tpu.memory_space<hbm>> -> memref<1x128x128xf32, #tpu.memory_space<hbm>>
    %dma_start3A_386 = tpu.memref_squeeze %dma_start3A_385 : memref<1x128x128xf32, #tpu.memory_space<hbm>> -> memref<128x128xf32, #tpu.memory_space<hbm>>
    %dma_start3A_387 = arith.constant 0 : i32
    %dma_start3A_388 = tpu.memref_slice %arg4[%dma_start3A_379, %mul3A_2, %dma_start3A_387] : memref<50x4096x128xf32, #tpu.memory_space<hbm>> -> memref<1x128x128xf32, #tpu.memory_space<hbm>>
    %dma_start3A_389 = tpu.memref_squeeze %dma_start3A_388 : memref<1x128x128xf32, #tpu.memory_space<hbm>> -> memref<128x128xf32, #tpu.memory_space<hbm>>
    %dma_start3A_390 = arith.constant 0 : i32
    %dma_start3A_391 = arith.constant 0 : i32
    %dma_start3A_392 = tpu.memref_slice %arg6[%dma_start3A_378, %dma_start3A_390, %dma_start3A_391] : memref<6x128x128xf32, #tpu.memory_space<vmem>> -> memref<1x128x128xf32, #tpu.memory_space<vmem>>
    %dma_start3A_393 = tpu.memref_squeeze %dma_start3A_392 : memref<1x128x128xf32, #tpu.memory_space<vmem>> -> memref<128x128xf32, #tpu.memory_space<vmem>>
    tpu.enqueue_dma source(%dma_start3A_393 : memref<128x128xf32, #tpu.memory_space<vmem>>) target(%dma_start3A_389 : memref<128x128xf32, #tpu.memory_space<hbm>>) target_semaphore(%arg13 : memref<!tpu.dma_semaphore, #tpu.memory_space<semaphore_mem>>)
    %dma_wait3A_394 = arith.constant 0 : i32
    %dma_wait3A_395 = arith.constant 48 : i32
    %dma_wait3A_396 = arith.constant 0 : i32
    %dma_wait3A_397 = arith.constant 0 : i32
    %dma_wait3A_398 = tpu.memref_slice %arg6[%dma_wait3A_394, %dma_wait3A_396, %dma_wait3A_397] : memref<6x128x128xf32, #tpu.memory_space<vmem>> -> memref<1x128x128xf32, #tpu.memory_space<vmem>>
    %dma_wait3A_399 = tpu.memref_squeeze %dma_wait3A_398 : memref<1x128x128xf32, #tpu.memory_space<vmem>> -> memref<128x128xf32, #tpu.memory_space<vmem>>
    %dma_wait3A_400 = arith.constant 0 : i32
    %dma_wait3A_401 = tpu.memref_slice %arg4[%dma_wait3A_395, %mul3A_2, %dma_wait3A_400] : memref<50x4096x128xf32, #tpu.memory_space<hbm>> -> memref<1x128x128xf32, #tpu.memory_space<hbm>>
    %dma_wait3A_402 = tpu.memref_squeeze %dma_wait3A_401 : memref<1x128x128xf32, #tpu.memory_space<hbm>> -> memref<128x128xf32, #tpu.memory_space<hbm>>
    %dma_wait3A_403 = arith.constant 0 : i32
    %dma_wait3A_404 = tpu.memref_slice %arg4[%dma_wait3A_395, %mul3A_2, %dma_wait3A_403] : memref<50x4096x128xf32, #tpu.memory_space<hbm>> -> memref<1x128x128xf32, #tpu.memory_space<hbm>>
    %dma_wait3A_405 = tpu.memref_squeeze %dma_wait3A_404 : memref<1x128x128xf32, #tpu.memory_space<hbm>> -> memref<128x128xf32, #tpu.memory_space<hbm>>
    %dma_wait3A_406 = arith.constant 0 : i32
    %dma_wait3A_407 = arith.constant 0 : i32
    %dma_wait3A_408 = tpu.memref_slice %arg6[%dma_wait3A_394, %dma_wait3A_406, %dma_wait3A_407] : memref<6x128x128xf32, #tpu.memory_space<vmem>> -> memref<1x128x128xf32, #tpu.memory_space<vmem>>
    %dma_wait3A_409 = tpu.memref_squeeze %dma_wait3A_408 : memref<1x128x128xf32, #tpu.memory_space<vmem>> -> memref<128x128xf32, #tpu.memory_space<vmem>>
    tpu.wait_dma2 semaphore(%arg13 : memref<!tpu.dma_semaphore, #tpu.memory_space<semaphore_mem>>) src(%dma_wait3A_409 : memref<128x128xf32, #tpu.memory_space<vmem>>) dst(%dma_wait3A_405 : memref<128x128xf32, #tpu.memory_space<hbm>>)
    %dma_wait3A_410 = arith.constant 49 : i32
    %dma_wait3A_411 = arith.constant 1 : i32
    %dma_wait3A_412 = arith.constant 0 : i32
    %dma_wait3A_413 = arith.constant 0 : i32
    %dma_wait3A_414 = tpu.memref_slice %arg6[%dma_wait3A_411, %dma_wait3A_412, %dma_wait3A_413] : memref<6x128x128xf32, #tpu.memory_space<vmem>> -> memref<1x128x128xf32, #tpu.memory_space<vmem>>
    %dma_wait3A_415 = tpu.memref_squeeze %dma_wait3A_414 : memref<1x128x128xf32, #tpu.memory_space<vmem>> -> memref<128x128xf32, #tpu.memory_space<vmem>>
    %dma_wait3A_416 = arith.constant 0 : i32
    %dma_wait3A_417 = tpu.memref_slice %arg5[%dma_wait3A_410, %dma_wait3A_416] : memref<50x128xi32, #tpu.memory_space<vmem>> -> memref<1x128xi32, #tpu.memory_space<vmem>>
    %dma_wait3A_418 = tpu.memref_squeeze %dma_wait3A_417 : memref<1x128xi32, #tpu.memory_space<vmem>> -> memref<128xi32, #tpu.memory_space<vmem>>
    %dma_wait3A_419 = arith.constant 0 : i32
    %dma_wait3A_420 = arith.constant 0 : i32
    %dma_wait3A_421 = tpu.memref_slice %arg2[%dma_wait3A_419, %dma_wait3A_420] : memref<100000x128xf32, #tpu.memory_space<hbm>> -> memref<100000x128xf32, #tpu.memory_space<hbm>>
    tpu.wait_indirect_dma semaphore(%arg8 : memref<!tpu.dma_semaphore, #tpu.memory_space<semaphore_mem>>) src(%dma_wait3A_421 : memref<100000x128xf32, #tpu.memory_space<hbm>>) dst(%dma_wait3A_415 : memref<128x128xf32, #tpu.memory_space<vmem>>)
    %dma_start3A_422 = arith.constant 1 : i32
    %dma_start3A_423 = arith.constant 49 : i32
    %dma_start3A_424 = arith.constant 0 : i32
    %dma_start3A_425 = arith.constant 0 : i32
    %dma_start3A_426 = tpu.memref_slice %arg6[%dma_start3A_422, %dma_start3A_424, %dma_start3A_425] : memref<6x128x128xf32, #tpu.memory_space<vmem>> -> memref<1x128x128xf32, #tpu.memory_space<vmem>>
    %dma_start3A_427 = tpu.memref_squeeze %dma_start3A_426 : memref<1x128x128xf32, #tpu.memory_space<vmem>> -> memref<128x128xf32, #tpu.memory_space<vmem>>
    %dma_start3A_428 = arith.constant 0 : i32
    %dma_start3A_429 = tpu.memref_slice %arg4[%dma_start3A_423, %mul3A_2, %dma_start3A_428] : memref<50x4096x128xf32, #tpu.memory_space<hbm>> -> memref<1x128x128xf32, #tpu.memory_space<hbm>>
    %dma_start3A_430 = tpu.memref_squeeze %dma_start3A_429 : memref<1x128x128xf32, #tpu.memory_space<hbm>> -> memref<128x128xf32, #tpu.memory_space<hbm>>
    %dma_start3A_431 = arith.constant 0 : i32
    %dma_start3A_432 = tpu.memref_slice %arg4[%dma_start3A_423, %mul3A_2, %dma_start3A_431] : memref<50x4096x128xf32, #tpu.memory_space<hbm>> -> memref<1x128x128xf32, #tpu.memory_space<hbm>>
    %dma_start3A_433 = tpu.memref_squeeze %dma_start3A_432 : memref<1x128x128xf32, #tpu.memory_space<hbm>> -> memref<128x128xf32, #tpu.memory_space<hbm>>
    %dma_start3A_434 = arith.constant 0 : i32
    %dma_start3A_435 = arith.constant 0 : i32
    %dma_start3A_436 = tpu.memref_slice %arg6[%dma_start3A_422, %dma_start3A_434, %dma_start3A_435] : memref<6x128x128xf32, #tpu.memory_space<vmem>> -> memref<1x128x128xf32, #tpu.memory_space<vmem>>
    %dma_start3A_437 = tpu.memref_squeeze %dma_start3A_436 : memref<1x128x128xf32, #tpu.memory_space<vmem>> -> memref<128x128xf32, #tpu.memory_space<vmem>>
    tpu.enqueue_dma source(%dma_start3A_437 : memref<128x128xf32, #tpu.memory_space<vmem>>) target(%dma_start3A_433 : memref<128x128xf32, #tpu.memory_space<hbm>>) target_semaphore(%arg14 : memref<!tpu.dma_semaphore, #tpu.memory_space<semaphore_mem>>)
    %dma_wait3A_438 = arith.constant 1 : i32
    %dma_wait3A_439 = arith.constant 49 : i32
    %dma_wait3A_440 = arith.constant 0 : i32
    %dma_wait3A_441 = arith.constant 0 : i32
    %dma_wait3A_442 = tpu.memref_slice %arg6[%dma_wait3A_438, %dma_wait3A_440, %dma_wait3A_441] : memref<6x128x128xf32, #tpu.memory_space<vmem>> -> memref<1x128x128xf32, #tpu.memory_space<vmem>>
    %dma_wait3A_443 = tpu.memref_squeeze %dma_wait3A_442 : memref<1x128x128xf32, #tpu.memory_space<vmem>> -> memref<128x128xf32, #tpu.memory_space<vmem>>
    %dma_wait3A_444 = arith.constant 0 : i32
    %dma_wait3A_445 = tpu.memref_slice %arg4[%dma_wait3A_439, %mul3A_2, %dma_wait3A_444] : memref<50x4096x128xf32, #tpu.memory_space<hbm>> -> memref<1x128x128xf32, #tpu.memory_space<hbm>>
    %dma_wait3A_446 = tpu.memref_squeeze %dma_wait3A_445 : memref<1x128x128xf32, #tpu.memory_space<hbm>> -> memref<128x128xf32, #tpu.memory_space<hbm>>
    %dma_wait3A_447 = arith.constant 0 : i32
    %dma_wait3A_448 = tpu.memref_slice %arg4[%dma_wait3A_439, %mul3A_2, %dma_wait3A_447] : memref<50x4096x128xf32, #tpu.memory_space<hbm>> -> memref<1x128x128xf32, #tpu.memory_space<hbm>>
    %dma_wait3A_449 = tpu.memref_squeeze %dma_wait3A_448 : memref<1x128x128xf32, #tpu.memory_space<hbm>> -> memref<128x128xf32, #tpu.memory_space<hbm>>
    %dma_wait3A_450 = arith.constant 0 : i32
    %dma_wait3A_451 = arith.constant 0 : i32
    %dma_wait3A_452 = tpu.memref_slice %arg6[%dma_wait3A_438, %dma_wait3A_450, %dma_wait3A_451] : memref<6x128x128xf32, #tpu.memory_space<vmem>> -> memref<1x128x128xf32, #tpu.memory_space<vmem>>
    %dma_wait3A_453 = tpu.memref_squeeze %dma_wait3A_452 : memref<1x128x128xf32, #tpu.memory_space<vmem>> -> memref<128x128xf32, #tpu.memory_space<vmem>>
    tpu.wait_dma2 semaphore(%arg14 : memref<!tpu.dma_semaphore, #tpu.memory_space<semaphore_mem>>) src(%dma_wait3A_453 : memref<128x128xf32, #tpu.memory_space<vmem>>) dst(%dma_wait3A_449 : memref<128x128xf32, #tpu.memory_space<hbm>>)
    return
  }
}

</mosaic_0001>

<sc_bundles>
// kernel: kernel.3.cloned.1.call-start
scs
__scs_entry_jumppad:
0x0: {  	(pc) =	sbr.rel $0x88, $3  }
0x1: {  	(tag) =	ssettag $0x0;
	lr =	simm.s32 $0x1  }
0x2: {  	[smem:$0x3F9F] =	sst lr;
	_ =	strace $0xD0000000  }
0x3: {  	_ = 	snop  }
0x4: {  	_ = 	snop  }
0x5: {  	_ = 	snop  }
0x6: {  	_ = 	snop  }
0x7: {  	_ = 	snop  }
__scs_overlays_trampoline_lowered:
0x8: {  	[smem:$0x3FAE] =	sst s0  }
0x9: {  	[smem:$0x3FAF] =	sst s1  }
0xa: {  	[smem:$0x3FB0] =	sst s2  }
0xb: {  	[smem:$0x3FB1] =	sst s3  }
0xc: {  	[smem:$0x3FB2] =	sst s4  }
0xd: {  	[smem:$0x3FB3] =	sst s5  }
0xe: {  	[smem:$0x3FB4] =	sst s6  }
0xf: {  	[smem:$0x3FB5] =	sst s7  }
0x10: {  	[smem:$0x3FB6] =	sst s8  }
0x11: {  	[smem:$0x3FB7] =	sst s9;
	s0 =	simm.s32 @!p0 $0x0  }
0x12: {  	s1 =	sld [smem:$0x3F9D];
	s0 =	simm.s32 @p0 $0x1  }
0x13: {  	[smem:$0x3FB8] =	sst s0;
	s0 =	simm.s32 @!p1 $0x0  }
0x14: {  	s2 =	sld [smem:$0x3F9C];
	s0 =	simm.s32 @p1 $0x1  }
0x15: {  	[smem:$0x3FB9] =	sst s0;
	s0 =	simm.s32 @!p2 $0x0  }
0x16: {  	s3 =	sld [smem:$0x3FDB];
	s0 =	simm.s32 @p2 $0x1  }
0x17: {  	s4 =	simm.s32 $0x1BF5;
	[smem:$0x3FBB] =	sst s0  }
0x18: {  	s0 =	sld [smem:$0x3F9E];
	_ =	swait.ge [sflag:s4], $0x0  }
0x19: {  	s7 =	sld [smem:$0x3F9F]  }
0x1a: {  	s8 =	sadd.s32 $0xFFFFE003, lr  }
0x1b: {  	s9 =	sadd.s32 $0xFFFFFEF7, lr;
	s5 =	simm.s32 $0xFFFFFFFF;
	p2 =	slt.u32 s8, $0xFFFFF086  }
0x1c: {  	p1 =	slt.u32 s9, $0xF7A;
	s5 =	simm.s32 @!p2 $0x0  }
0x1d: {  	s5 =	simm.s32 @p1 $0x1;
	p0 =	seq.s32 s7, s2  }
0x1e: {  	s7 =	smul.u32 @!p0 $0xF7A, s2;
	p2 =	seq.s32 @!p0 s5, $0x0  }
0x1f: {  	s9 =	smul.u32 $0xF7A, s1;
	s8 =	simm.s32 @!p0 $0x1BF5;
	p2 =	por !p2, p0  }
0x20: {  	[sflag:s8] =	ssyncset.s32 @!p0 $0xFFFFF086;
	s6 =	sadd.s32 @!p0 s3, s7;
	s7 =	simm.s32 @!p0 $0x108  }
0x21: {  	s3 =	sadd.s32 s3, s9;
	s6 =	sadd.s32 @!p0 $0x88, s6;
	s7 =	simm.s32 @p2 $0x1082  }
0x22: {  	[simem:s7], [sflag:s8] =	dma.local @!p0 [hbm:s6], $0xF7A  }
0x23: {  	s9 =	sor.u32 $0xD0000000, s2;
	s6 =	simm.s32 $0x108;
	_ =	swait.ge @!p0 [sflag:s8], $0x0  }
0x24: {  	s3 =	sadd.s32 $0x88, s3;
	s6 =	simm.s32 @!p1 $0x1082;
	[sflag:s4] =	ssyncset.s32 $0xFFFFF086  }
0x25: {  	[simem:s6], [sflag:s4] =	dma.local [hbm:s3], $0xF7A  }
0x26: {  	[smem:$0x3F9F] =	sst s1;
	(tag) =	ssettag s2;
	_ =	strace s9  }
0x27: {  	s1 =	sld [smem:$0x3FAF]  }
0x28: {  	s2 =	sld [smem:$0x3FB0]  }
0x29: {  	s4 =	sld [smem:$0x3FB2]  }
0x2a: {  	p0 =	seq.s32 s5, $0x0;
	s5 =	sld [smem:$0x3FB3]  }
0x2b: {  	s6 =	sld [smem:$0x3FB4]  }
0x2c: {  	s7 =	sld [smem:$0x3FB5]  }
0x2d: {  	s3 =	simm.s32 $0x108;
	s8 =	sld [smem:$0x3FB6]  }
0x2e: {  	s3 =	simm.s32 @!p0 $0x1082;
	s9 =	sld [smem:$0x3FB7]  }
0x2f: {  	lr =	sadd.s32 s0, s3;
	s0 =	sld [smem:$0x3FAE]  }
0x30: {  	s3 =	sld [smem:$0x3FB1]  }
0x31: {  	[smem:$0x3FBA] =	sst s10  }
0x32: {  	s10 =	sld [smem:$0x3FB8];
	_ =	sdelay $0x3  }
0x33: {  	p0 =	seq.s32 s10, $0x1;
	s10 =	sld [smem:$0x3FBA];
	_ =	sdelay $0x3  }
0x34: {  	[smem:$0x3FBA] =	sst s10  }
0x35: {  	s10 =	sld [smem:$0x3FB9];
	_ =	sdelay $0x3  }
0x36: {  	p1 =	seq.s32 s10, $0x1;
	s10 =	sld [smem:$0x3FBA];
	_ =	sdelay $0x3  }
0x37: {  	[smem:$0x3FBA] =	sst s10  }
0x38: {  	s10 =	sld [smem:$0x3FBB]  }
0x39: {  	_ = 	snop;
	(pc) =	sbr.ind lr, $3  }
0x3a: {  	_ = 	snop  }
0x3b: {  	_ = 	snop  }
0x3c: {  	p2 =	seq.s32 s10, $0x1;
	s10 =	sld [smem:$0x3FBA]  }
0x3d: {  	_ =	shalt  }
0x3e: {  	_ =	shalt  }
0x3f: {  	_ =	shalt  }
0x40: {  	_ =	shalt  }
0x41: {  	_ =	shalt  }
0x42: {  	_ =	shalt  }
0x43: {  	_ =	shalt  }
0x44: {  	_ =	shalt  }
0x45: {  	_ =	shalt  }
0x46: {  	_ =	shalt  }
0x47: {  	_ =	shalt  }
0x48: {  	_ =	shalt  }
0x49: {  	_ =	shalt  }
0x4a: {  	_ =	shalt  }
0x4b: {  	_ =	shalt  }
0x4c: {  	_ =	shalt  }
0x4d: {  	_ =	shalt  }
0x4e: {  	_ =	shalt  }
0x4f: {  	_ =	shalt  }
0x50: {  	_ =	shalt  }
0x51: {  	_ =	shalt  }
0x52: {  	_ =	shalt  }
0x53: {  	_ =	shalt  }
0x54: {  	_ =	shalt  }
0x55: {  	_ =	shalt  }
0x56: {  	_ =	shalt  }
0x57: {  	_ =	shalt  }
0x58: {  	_ =	shalt  }
0x59: {  	_ =	shalt  }
0x5a: {  	_ =	shalt  }
0x5b: {  	_ =	shalt  }
0x5c: {  	_ =	shalt  }
0x5d: {  	_ =	shalt  }
0x5e: {  	_ =	shalt  }
0x5f: {  	_ =	shalt  }
0x60: {  	_ =	shalt  }
0x61: {  	_ =	shalt  }
0x62: {  	_ =	shalt  }
0x63: {  	_ =	shalt  }
0x64: {  	_ =	shalt  }
0x65: {  	_ =	shalt  }
0x66: {  	_ =	shalt  }
0x67: {  	_ =	shalt  }
0x68: {  	_ =	shalt  }
0x69: {  	_ =	shalt  }
0x6a: {  	_ =	shalt  }
0x6b: {  	_ =	shalt  }
0x6c: {  	_ =	shalt  }
0x6d: {  	_ =	shalt  }
0x6e: {  	_ =	shalt  }
0x6f: {  	_ =	shalt  }
0x70: {  	_ =	shalt  }
0x71: {  	_ =	shalt  }
0x72: {  	_ =	shalt  }
0x73: {  	_ =	shalt  }
0x74: {  	_ =	shalt  }
0x75: {  	_ =	shalt  }
0x76: {  	_ =	shalt  }
0x77: {  	_ =	shalt  }
0x78: {  	_ =	shalt  }
0x79: {  	_ =	shalt  }
0x7a: {  	_ =	shalt  }
0x7b: {  	_ =	shalt  }
0x7c: {  	_ =	shalt  }
0x7d: {  	_ =	shalt  }
0x7e: {  	_ =	shalt  }
0x7f: {  	_ =	shalt  }
0x80: {  	_ =	shalt  }
0x81: {  	_ =	shalt  }
0x82: {  	_ =	shalt  }
0x83: {  	_ =	shalt  }
0x84: {  	_ =	shalt  }
0x85: {  	_ =	shalt  }
0x86: {  	_ =	shalt  }
0x87: {  	_ =	shalt  }
.Lfunc_end0:
.L_simem_size_0:
called_computation_lowered:
.L_overlay_start_0:
0x88: {  	s2 =	sld [smem:$0x3FD9]  }
0x89: {  	s3 =	sld [smem:$0x3FFE];
	_ =	sdelay $0x1  }
0x8a: {  	s1 =	srdreg.scid  }
0x8b: {  	s0 =	sand.u32 $0x1, s1  }
0x8c: {  	s17 =	sshll.u32 s0, $0xA;
	s2 =	sadd.s32 s3, s2  }
0x8d: {  	s2 =	sadd.s32 s2, s17  }
0x8e: {  	[smem:$0x3FC6] =	sst s2  }
0x8f: {  	_ = 	snop  }
0x90: {  	s2 =	sld [smem:$0x3FC8]  }
0x91: {  	s18 =	sld [smem:$0x3FD0];
	(tm) =	ssettm $0x1  }
0x92: {  	s4 =	sld [smem:$0x3FFB];
	_ =	sdelay $0x3  }
0x93: {  	_ =	strace s4  }
0x94: {  	s4 =	sld [smem:$0x3FFC];
	_ =	sdelay $0x3  }
0x95: {  	_ =	strace s4  }
0x96: {  	s4 =	sld [smem:$0x3FFD];
	_ =	sdelay $0x3  }
0x97: {  	_ =	strace s4  }
0x98: {  	_ =	strace $0x8FFFFFFF  }
0x99: {  	s19 =	sld [smem:$0x3FDB];
	_ =	sdelay $0x1  }
0x9a: {  	s5 =	simm.s32 $_scs_section_size  }
0x9b: {  	s6 =	simm.s32 $_size__tile_overlayer_lowered;
	s7 =	simm.s32 $_tile_overlayer_lowered  }
0x9c: {  	s22 =	simm.s32 $0x1BFF;
	s21 =	sshll.u32 s7, $0x1;
	s4 =	sadd.s32 s5, s19  }
0x9d: {  	s8 =	simm.s32 $0x0;
	s20 =	sshll.u32 s6, $0x1;
	s6 =	sadd.s32 s21, s4  }
0x9e: {  	[timem:s8], [sflag:s22] =	dma.local [hbm:s6], s20  }
0x9f: {  	_ =	swait.ge [sflag:s22], s20  }
0xa0: {  	s5 =	ssub.s32 $0x0, s20;
	[sflag:s22] =	ssyncset.done $0x0  }
0xa1: {  	[sflag:s22] =	ssyncadd.s32 s5;
	_ =	sdelay $0x1  }
0xa2: {  	s23 =	simm.s32 $0x1B8B  }
0xa3: {  	_ =	swait.ge [sflag:s23], $0x1  }
0xa4: {  	[sflag:s23] =	ssyncset.done $0x0  }
0xa5: {  	s25 =	simm.s32 $0x1B8E;
	s24 =	sld [smem:$0x3FFE];
	[sflag:s23] =	ssyncadd.s32 $0xFFFFFFFF  }
0xa6: {  	s26 =	simm.s32 $execute0_lowered;
	[smem:$0x3FD2] =	sst s25  }
0xa7: {  	s6 =	sshll.u32 s26, $0x1;
	_ =	strace $0x80000046;
	[dreg:$0x1] =	wrdreg $0xFFFFFFFF  }
0xa8: {  	s28 =	simm.s32 $_size_execute0_lowered;
	s4 =	sadd.s32 s4, s6;
	[dreg:$0x0] =	wrdreg $0x0  }
0xa9: {  	s6 =	sshll.u32 s28, $0x1;
	[dreg:$0x2] =	wrdreg s4  }
0xaa: {  	[dreg:$0x3] =	wrdreg s6  }
0xab: {  	[dreg:$0x4] =	wrdreg $0xC0  }
0xac: {  	_ =	task [dreg:s8], $0x5FFFF  }
0xad: {  	[dreg:$0x1] =	wrdreg $0xFFFFFFFF  }
0xae: {  	[dreg:$0x0] =	wrdreg $0x60  }
0xaf: {  	[dreg:$0x2] =	wrdreg s2  }
0xb0: {  	[dreg:$0x3] =	wrdreg s24  }
0xb1: {  	[dreg:$0x4] =	wrdreg s18  }
0xb2: {  	[dreg:$0x5] =	wrdreg $0x9  }
0xb3: {  	_ =	task.clear_ibuf [dreg:s8], $0x6FFFF;
	_ =	strace $0x90000046  }
0xb4: {  	s29 =	simm.s32 $0x9;
	_ =	strace $0x80000048  }
0xb5: {  	_ =	swait.ge [sflag:s29], $0x1  }
0xb6: {  	[sflag:s29] =	ssyncadd.s32 $0xFFFFFFFF  }
0xb7: {  	_ =	strace $0x90000048  }
0xb8: {  	_ =	sfence  }
0xb9: {  	s30 =	sld [smem:$0x0];
	_ =	sdelay $0x2  }
0xba: {  	s31 =	sshll.u32 s1, $0xD;
	s1 =	sshrl.u32 s1, $0x2  }
0xbb: {  	s3 =	sand.u32 $0x4000, s31;
	s1 =	sadd.s32 s1, s30  }
0xbc: {  	s0 =	sor.u32 s3, s0;
	s1 =	sshll.u32 s1, $0x11  }
0xbd: {  	s0 =	sor.u32 s1, s0  }
0xbe: {  	s0 =	sadd.s32 $0x8F2B, s0  }
0xbf: {  	[sflag:s0] =	ssyncadd.remote.s32 $0x1  }
0xc0: {  	_ =	sfence.sel $0xFFFF  }
0xc1: {  	[dreg:$0x0] =	wrdreg $0xFFFFFFFF;
	(pc) =	sbr.abs _section_cstart, $3  }
0xc2: {  	[dreg:$0x1] =	wrdreg $0xFFFFFFFF  }
0xc3: {  	_ =	task.clear_ibuf [dreg:s8], $0x2FFFF;
	_ =	strace $0x9FFFFFFF  }
0xc4: {  	(tm) =	ssettm $0x7FFFFFFF  }
0xc5: {  	_ =	shalt  }
tec
execute0_lowered:
.L_overlay_start_1:
0x0: {  	(tag) =	ssettag $0x1  }
0x1: {  	s1 =	rddreg [dreg:$0x0]  }
0x2: {  	s0 =	rddreg [dreg:$0x1];
	s2 =	srdreg.scid  }
0x3: {  	s3 =	stileid.u32;
	s20 =	rddreg [dreg:$0x2]  }
0x4: {  	s4 =	simm.s32 $0x0;
	s2 =	sand.u32 $0x1, s2;
	s5 =	sshll.u32 s3, $0x1  }
0x5: {  	s29 =	simm.s32 $0xDC00;
	s31 =	simm.s32 $0x11C00;
	s5 =	sor.u32 s2, s5  }
0x6: {  	s28 =	simm.s32 $0x7;
	s6 =	smul.u32 $0x380, s5;
	s5 =	sshll.u32 s5, $0xB  }
0x7: {  	s30 =	simm.s32 $0x2;
	[smem:$0x7FF] =	sst s4;
	s5 =	sadd.s32 s20, s5  }
0x8: {  	_ =	strace $0x80000047;
	s8 =	sadd.s32 $0x2B0000, s5;
	[dreg:$0x5] =	wrdreg s5  }
0x9: {  	s12 =	sshll.u32 s3, $0xF;
	s9 =	sadd.s32 $0x2C0000, s5;
	[dreg:$0x6] =	wrdreg s8  }
0xa: {  	s7 =	ssub.s32 $0x2, s2;
	s10 =	sadd.s32 $0x2D0000, s5;
	[dreg:$0x7] =	wrdreg s9  }
0xb: {  	s2 =	sshll.u32 s2, $0xE;
	s11 =	sadd.s32 $0x2E0000, s5;
	[dreg:$0x8] =	wrdreg s10  }
0xc: {  	s26 =	sshrl.u32 s7, $0x1;
	s13 =	sadd.s32 $0x2F0000, s5;
	[dreg:$0x9] =	wrdreg s11  }
0xd: {  	s0 =	sadd.s32 s6, s0;
	s14 =	sadd.s32 $0x300000, s5;
	[dreg:$0xa] =	wrdreg s13  }
0xe: {  	s6 =	ssub.s32 s7, s26;
	s15 =	sadd.s32 $0x310000, s5;
	[dreg:$0xb] =	wrdreg s14  }
0xf: {  	s7 =	simm.s32 $0x9;
	s0 =	sadd.s32 $0x400, s0;
	[dreg:$0xc] =	wrdreg s15  }
0x10: {  	s18 =	smax.u32 s6, $0x1;
	s8 =	simm.s32 $0x4;
	s9 =	simm.s32 $0xA  }
0x11: {  	s10 =	simm.s32 $0x5;
	s11 =	simm.s32 $0xB;
	s13 =	simm.s32 $0xC  }
0x12: {  	s6 =	simm.s32 $0x0;
	[dreg:$0x4] =	wrdreg s0;
	s0 =	sor.u32 s2, s12  }
0x13: {  	[dreg:$0xd] =	wrdreg s18;
	s12 =	simm.s32 $0x6;
	s16 =	sor.u32 $0x280000, s0  }
0x14: {  	s17 =	sor.u32 $0x200000, s0;
	s21 =	sor.u32 $0x180000, s0;
	s22 =	sor.u32 $0x100000, s0  }
0x15: {  	s23 =	sshrl.u32 s0, $0x3;
	s0 =	sor.u32 $0x300000, s0;
	s2 =	sshrl.u32 s16, $0x3  }
0x16: {  	s5 =	sshrl.u32 s17, $0x3;
	s24 =	sshrl.u32 s22, $0x3;
	s25 =	sadd.s32 s23, s20  }
0x17: {  	[dreg:$0x13] =	wrdreg s0;
	s22 =	simm.s32 $0x80;
	s2 =	sadd.s32 s2, s20  }
0x18: {  	s0 =	simm.s32 $0x15C00;
	s19 =	sadd.s32 s5, s20;
	[dreg:$0xe] =	wrdreg s2  }
0x19: {  	s26 =	sadd.s32 $0x10000, s25;
	[dreg:$0xf] =	wrdreg s19;
	s2 =	sshrl.u32 s21, $0x3  }
0x1a: {  	s25 =	simm.s32 $0x1;
	[dreg:$0x12] =	wrdreg s26;
	s2 =	sadd.s32 s2, s20  }
0x1b: {  	s5 =	simm.s32 $0x3;
	[dreg:$0x10] =	wrdreg s2;
	s2 =	sadd.s32 s24, s20  }
0x1c: {  	s26 =	simm.s32 $0x9C00;
	[dreg:$0x11] =	wrdreg s2;
	s2 =	simm.s32 $0x8  }
.LBB2_1:
0x1d: {  	[dreg:$0x14] =	wrdreg s6  }
0x1e: {  	s3 =	rddreg [dreg:$0x4];
	s15 =	simm.s32 $0xD  }
0x1f: {  	[tilespmem:s4], [sflag:$0xD] =	stream.linear.gather [hbm4b:s3+s4], $0x1900, $0x38;
	[tilespmem:$0x19C00] =	vst v63  }
0x20: {  	_ =	swait.ge [sflag:s15], $0x1900  }
0x21: {  	[sflag:s15] =	ssyncset.done $0x0  }
0x22: {  	s14 =	simm.s32 $0x1C00;
	[sflag:s15] =	ssyncadd.s32 $0xFFFFE700  }
0x23: {  	[tilespmem:s14], [sflag:$0x1] =	stream.indirect.gather [hbm4b:s1+s22], $0x80, s4, s22, $0xb8;
	[tilespmem:$0x19C00] =	vst v63  }
0x24: {  	s15 =	simm.s32 $0x5C00  }
0x25: {  	[tilespmem:s15], [sflag:$0x2] =	stream.indirect.gather [hbm4b:s1+s22], $0x80, s22, s22, $0xb8;
	[tilespmem:$0x19C00] =	vst v63  }
0x26: {  	s16 =	simm.s32 $0x100  }
0x27: {  	[tilespmem:s26], [sflag:$0x3] =	stream.indirect.gather [hbm4b:s1+s22], $0x80, s16, s22, $0xb8;
	[tilespmem:$0x19C00] =	vst v63  }
0x28: {  	s17 =	simm.s32 $0x180  }
0x29: {  	[tilespmem:s29], [sflag:$0x4] =	stream.indirect.gather [hbm4b:s1+s22], $0x80, s17, s22, $0xb8;
	[tilespmem:$0x19C00] =	vst v63  }
0x2a: {  	s18 =	simm.s32 $0x200  }
0x2b: {  	[tilespmem:s31], [sflag:$0x5] =	stream.indirect.gather [hbm4b:s1+s22], $0x80, s18, s22, $0xb8;
	[tilespmem:$0x19C00] =	vst v63  }
0x2c: {  	s19 =	simm.s32 $0x280  }
0x2d: {  	[tilespmem:s0], [sflag:$0x6] =	stream.indirect.gather [hbm4b:s1+s22], $0x80, s19, s22, $0xb8;
	[tilespmem:$0x19C00] =	vst v63  }
0x2e: {  	_ =	swait.ge [sflag:s25], $0x4000  }
0x2f: {  	[sflag:s25] =	ssyncset.done $0x0  }
0x30: {  	s21 =	rddreg [dreg:$0x5];
	[sflag:s25] =	ssyncadd.s32 $0xFFFFC000  }
0x31: {  	[hbm4b:s21+s4] =	stream.linear.scatter [tilespmem:s14], [sflag:$0x7], $0x4000, $0x38;
	[tilespmem:$0x19C00] =	vst v63  }
0x32: {  	_ =	swait.ge [sflag:s28], $0x4000  }
0x33: {  	[sflag:s28] =	ssyncset.done $0x0  }
0x34: {  	s23 =	simm.s32 $0x300;
	[sflag:s28] =	ssyncadd.s32 $0xFFFFC000  }
0x35: {  	[tilespmem:s14], [sflag:$0x1] =	stream.indirect.gather [hbm4b:s1+s22], $0x80, s23, s22, $0xb8;
	[tilespmem:$0x19C00] =	vst v63  }
0x36: {  	_ =	swait.ge [sflag:s30], $0x4000  }
0x37: {  	[sflag:s30] =	ssyncset.done $0x0  }
0x38: {  	s24 =	rddreg [dreg:$0x12];
	[sflag:s30] =	ssyncadd.s32 $0xFFFFC000  }
0x39: {  	[hbm4b:s24+s4] =	stream.linear.scatter [tilespmem:s15], [sflag:$0x8], $0x4000, $0x38;
	[tilespmem:$0x19C00] =	vst v63  }
0x3a: {  	_ =	swait.ge [sflag:s2], $0x4000  }
0x3b: {  	[sflag:s2] =	ssyncset.done $0x0  }
0x3c: {  	s17 =	simm.s32 $0x380;
	[sflag:s2] =	ssyncadd.s32 $0xFFFFC000  }
0x3d: {  	[tilespmem:s15], [sflag:$0x2] =	stream.indirect.gather [hbm4b:s1+s22], $0x80, s17, s22, $0xb8;
	[tilespmem:$0x19C00] =	vst v63  }
0x3e: {  	_ =	swait.ge [sflag:s5], $0x4000  }
0x3f: {  	[sflag:s5] =	ssyncset.done $0x0  }
0x40: {  	s17 =	rddreg [dreg:$0x11];
	[sflag:s5] =	ssyncadd.s32 $0xFFFFC000  }
0x41: {  	[hbm4b:s17+s4] =	stream.linear.scatter [tilespmem:s26], [sflag:$0x9], $0x4000, $0x38;
	[tilespmem:$0x19C00] =	vst v63  }
0x42: {  	_ =	swait.ge [sflag:s7], $0x4000  }
0x43: {  	[sflag:s7] =	ssyncset.done $0x0  }
0x44: {  	s18 =	simm.s32 $0x400;
	[sflag:s7] =	ssyncadd.s32 $0xFFFFC000  }
0x45: {  	[tilespmem:s26], [sflag:$0x3] =	stream.indirect.gather [hbm4b:s1+s22], $0x80, s18, s22, $0xb8;
	[tilespmem:$0x19C00] =	vst v63  }
0x46: {  	_ =	swait.ge [sflag:s8], $0x4000  }
0x47: {  	[sflag:s8] =	ssyncset.done $0x0  }
0x48: {  	s16 =	rddreg [dreg:$0x10];
	[sflag:s8] =	ssyncadd.s32 $0xFFFFC000  }
0x49: {  	[hbm4b:s16+s4] =	stream.linear.scatter [tilespmem:s29], [sflag:$0xA], $0x4000, $0x38;
	[tilespmem:$0x19C00] =	vst v63  }
0x4a: {  	_ =	swait.ge [sflag:s9], $0x4000  }
0x4b: {  	[sflag:s9] =	ssyncset.done $0x0  }
0x4c: {  	s19 =	simm.s32 $0x480;
	[sflag:s9] =	ssyncadd.s32 $0xFFFFC000  }
0x4d: {  	[tilespmem:s29], [sflag:$0x4] =	stream.indirect.gather [hbm4b:s1+s22], $0x80, s19, s22, $0xb8;
	[tilespmem:$0x19C00] =	vst v63  }
0x4e: {  	_ =	swait.ge [sflag:s10], $0x4000  }
0x4f: {  	[sflag:s10] =	ssyncset.done $0x0  }
0x50: {  	s18 =	rddreg [dreg:$0xf];
	[sflag:s10] =	ssyncadd.s32 $0xFFFFC000  }
0x51: {  	[hbm4b:s18+s4] =	stream.linear.scatter [tilespmem:s31], [sflag:$0xB], $0x4000, $0x38;
	[tilespmem:$0x19C00] =	vst v63  }
0x52: {  	_ =	swait.ge [sflag:s11], $0x4000  }
0x53: {  	[sflag:s11] =	ssyncset.done $0x0  }
0x54: {  	s21 =	simm.s32 $0x500;
	[sflag:s11] =	ssyncadd.s32 $0xFFFFC000  }
0x55: {  	[tilespmem:s31], [sflag:$0x5] =	stream.indirect.gather [hbm4b:s1+s22], $0x80, s21, s22, $0xb8;
	[tilespmem:$0x19C00] =	vst v63  }
0x56: {  	_ =	swait.ge [sflag:s12], $0x4000  }
0x57: {  	[sflag:s12] =	ssyncset.done $0x0  }
0x58: {  	s3 =	rddreg [dreg:$0xe];
	[sflag:s12] =	ssyncadd.s32 $0xFFFFC000  }
0x59: {  	[hbm4b:s3+s4] =	stream.linear.scatter [tilespmem:s0], [sflag:$0xC], $0x4000, $0x38;
	[tilespmem:$0x19C00] =	vst v63  }
0x5a: {  	s6 =	simm.s32 $0xC00;
	_ =	swait.ge [sflag:s13], $0x4000  }
0x5b: {  	s23 =	simm.s32 $0x580;
	s17 =	sadd.s32 $0x60000, s17;
	[sflag:s13] =	ssyncset.done $0x0  }
0x5c: {  	s16 =	sadd.s32 $0x60000, s16;
	s18 =	sadd.s32 $0x60000, s18;
	[sflag:s13] =	ssyncadd.s32 $0xFFFFC000  }
0x5d: {  	[tilespmem:s0], [sflag:$0x6] =	stream.indirect.gather [hbm4b:s1+s22], $0x80, s23, s22, $0xb8;
	[tilespmem:$0x19C00] =	vst v63  }
0x5e: {  	s21 =	sadd.s32 $0x60000, s24;
	s19 =	rddreg [dreg:$0x13];
	_ =	swait.ge [sflag:s25], $0x4000  }
0x5f: {  	s15 =	sadd.s32 $0x300000, s19;
	s24 =	sshrl.u32 s19, $0x3;
	[sflag:s25] =	ssyncset.done $0x0  }
0x60: {  	s19 =	sadd.s32 $0x60000, s3;
	s14 =	sadd.s32 s20, s24;
	[sflag:s25] =	ssyncadd.s32 $0xFFFFC000  }
.LBB2_2:
0x61: {  	s24 =	simm.s32 $0x1C00  }
0x62: {  	[hbm4b:s14+s4] =	stream.linear.scatter [tilespmem:s24], [sflag:$0x7], $0x4000, $0x38;
	[tilespmem:$0x19C00] =	vst v63  }
0x63: {  	s23 =	smov.u32 s15;
	s14 =	smov.u32 s6  }
0x64: {  	p0 =	sne.s32 s6, $0x4800;
	s6 =	sadd.s32 $0xC00, s6;
	_ =	swait.ge [sflag:s28], $0x4000  }
0x65: {  	s14 =	sshra.s32 s14, $0x2;
	[sflag:s28] =	ssyncset.done $0x0  }
0x66: {  	s3 =	sadd.s32 $0x300, s14;
	[sflag:s28] =	ssyncadd.s32 $0xFFFFC000  }
0x67: {  	[tilespmem:s24], [sflag:$0x1] =	stream.indirect.gather [hbm4b:s1+s22], $0x80, s3, s22, $0xb8;
	[tilespmem:$0x19C00] =	vst v63  }
0x68: {  	_ =	swait.ge [sflag:s30], $0x4000  }
0x69: {  	[sflag:s30] =	ssyncset.done $0x0  }
0x6a: {  	s24 =	simm.s32 $0x5C00;
	[sflag:s30] =	ssyncadd.s32 $0xFFFFC000  }
0x6b: {  	[hbm4b:s21+s4] =	stream.linear.scatter [tilespmem:s24], [sflag:$0x8], $0x4000, $0x38;
	[tilespmem:$0x19C00] =	vst v63  }
0x6c: {  	_ =	swait.ge [sflag:s2], $0x4000  }
0x6d: {  	[sflag:s2] =	ssyncset.done $0x0  }
0x6e: {  	s3 =	sadd.s32 $0x380, s14;
	[sflag:s2] =	ssyncadd.s32 $0xFFFFC000  }
0x6f: {  	[tilespmem:s24], [sflag:$0x2] =	stream.indirect.gather [hbm4b:s1+s22], $0x80, s3, s22, $0xb8;
	[tilespmem:$0x19C00] =	vst v63  }
0x70: {  	_ =	swait.ge [sflag:s5], $0x4000  }
0x71: {  	[sflag:s5] =	ssyncset.done $0x0  }
0x72: {  	[sflag:s5] =	ssyncadd.s32 $0xFFFFC000  }
0x73: {  	[hbm4b:s17+s4] =	stream.linear.scatter [tilespmem:s26], [sflag:$0x9], $0x4000, $0x38;
	[tilespmem:$0x19C00] =	vst v63  }
0x74: {  	_ =	swait.ge [sflag:s7], $0x4000  }
0x75: {  	[sflag:s7] =	ssyncset.done $0x0  }
0x76: {  	s3 =	sadd.s32 $0x400, s14;
	[sflag:s7] =	ssyncadd.s32 $0xFFFFC000  }
0x77: {  	[tilespmem:s26], [sflag:$0x3] =	stream.indirect.gather [hbm4b:s1+s22], $0x80, s3, s22, $0xb8;
	[tilespmem:$0x19C00] =	vst v63  }
0x78: {  	_ =	swait.ge [sflag:s8], $0x4000  }
0x79: {  	[sflag:s8] =	ssyncset.done $0x0  }
0x7a: {  	[sflag:s8] =	ssyncadd.s32 $0xFFFFC000  }
0x7b: {  	[hbm4b:s16+s4] =	stream.linear.scatter [tilespmem:s29], [sflag:$0xA], $0x4000, $0x38;
	[tilespmem:$0x19C00] =	vst v63  }
0x7c: {  	_ =	swait.ge [sflag:s9], $0x4000  }
0x7d: {  	[sflag:s9] =	ssyncset.done $0x0  }
0x7e: {  	s3 =	sadd.s32 $0x480, s14;
	[sflag:s9] =	ssyncadd.s32 $0xFFFFC000  }
0x7f: {  	[tilespmem:s29], [sflag:$0x4] =	stream.indirect.gather [hbm4b:s1+s22], $0x80, s3, s22, $0xb8;
	[tilespmem:$0x19C00] =	vst v63  }
0x80: {  	_ =	swait.ge [sflag:s10], $0x4000  }
0x81: {  	[sflag:s10] =	ssyncset.done $0x0  }
0x82: {  	[sflag:s10] =	ssyncadd.s32 $0xFFFFC000  }
0x83: {  	[hbm4b:s18+s4] =	stream.linear.scatter [tilespmem:s31], [sflag:$0xB], $0x4000, $0x38;
	[tilespmem:$0x19C00] =	vst v63  }
0x84: {  	_ =	swait.ge [sflag:s11], $0x4000  }
0x85: {  	[sflag:s11] =	ssyncset.done $0x0  }
0x86: {  	s3 =	sadd.s32 $0x500, s14;
	[sflag:s11] =	ssyncadd.s32 $0xFFFFC000  }
0x87: {  	[tilespmem:s31], [sflag:$0x5] =	stream.indirect.gather [hbm4b:s1+s22], $0x80, s3, s22, $0xb8;
	[tilespmem:$0x19C00] =	vst v63  }
0x88: {  	_ =	swait.ge [sflag:s12], $0x4000  }
0x89: {  	[sflag:s12] =	ssyncset.done $0x0  }
0x8a: {  	[sflag:s12] =	ssyncadd.s32 $0xFFFFC000  }
0x8b: {  	[hbm4b:s19+s4] =	stream.linear.scatter [tilespmem:s0], [sflag:$0xC], $0x4000, $0x38;
	[tilespmem:$0x19C00] =	vst v63  }
0x8c: {  	_ =	swait.ge [sflag:s13], $0x4000  }
0x8d: {  	s15 =	sadd.s32 $0x300000, s15;
	s21 =	sadd.s32 $0x60000, s21;
	[sflag:s13] =	ssyncset.done $0x0  }
.Ltmp0:
0x8e: {  	s3 =	sadd.s32 $0x580, s14;
	[sflag:s13] =	ssyncadd.s32 $0xFFFFC000;
	(pc) =	sbr.rel @p0 .LBB2_2-.Ltmp0, $4  }
0x8f: {  	[tilespmem:s0], [sflag:$0x6] =	stream.indirect.gather [hbm4b:s1+s22], $0x80, s3, s22, $0xb8;
	[tilespmem:$0x19C00] =	vst v63  }
0x90: {  	s17 =	sadd.s32 $0x60000, s17;
	s16 =	sadd.s32 $0x60000, s16;
	_ =	swait.ge [sflag:s25], $0x4000  }
0x91: {  	s18 =	sadd.s32 $0x60000, s18;
	s3 =	sshrl.u32 s23, $0x3;
	[sflag:s25] =	ssyncset.done $0x0  }
0x92: {  	s19 =	sadd.s32 $0x60000, s19;
	s14 =	sadd.s32 s20, s3;
	[sflag:s25] =	ssyncadd.s32 $0xFFFFC000  }
0x93: {  	s6 =	simm.s32 $0x1C00  }
0x94: {  	[hbm4b:s14+s4] =	stream.linear.scatter [tilespmem:s6], [sflag:$0x7], $0x4000, $0x38;
	[tilespmem:$0x19C00] =	vst v63  }
0x95: {  	_ =	swait.ge [sflag:s28], $0x4000  }
0x96: {  	[sflag:s28] =	ssyncset.done $0x0  }
0x97: {  	s3 =	simm.s32 $0x1800;
	[sflag:s28] =	ssyncadd.s32 $0xFFFFC000  }
0x98: {  	[tilespmem:s6], [sflag:$0x1] =	stream.indirect.gather [hbm4b:s1+s22], $0x80, s3, s22, $0xb8;
	[tilespmem:$0x19C00] =	vst v63  }
0x99: {  	_ =	swait.ge [sflag:s30], $0x4000  }
0x9a: {  	[sflag:s30] =	ssyncset.done $0x0  }
0x9b: {  	s23 =	simm.s32 $0x5C00;
	s21 =	rddreg [dreg:$0x6];
	[sflag:s30] =	ssyncadd.s32 $0xFFFFC000  }
0x9c: {  	[hbm4b:s21+s4] =	stream.linear.scatter [tilespmem:s23], [sflag:$0x8], $0x4000, $0x38;
	[tilespmem:$0x19C00] =	vst v63  }
0x9d: {  	_ =	swait.ge [sflag:s2], $0x4000  }
0x9e: {  	[sflag:s2] =	ssyncset.done $0x0  }
0x9f: {  	s24 =	simm.s32 $0x1880;
	[sflag:s2] =	ssyncadd.s32 $0xFFFFC000  }
0xa0: {  	[tilespmem:s23], [sflag:$0x2] =	stream.indirect.gather [hbm4b:s1+s22], $0x80, s24, s22, $0xb8;
	[tilespmem:$0x19C00] =	vst v63  }
0xa1: {  	_ =	swait.ge [sflag:s5], $0x4000  }
0xa2: {  	[sflag:s5] =	ssyncset.done $0x0  }
0xa3: {  	s15 =	rddreg [dreg:$0x7];
	[sflag:s5] =	ssyncadd.s32 $0xFFFFC000  }
0xa4: {  	[hbm4b:s15+s4] =	stream.linear.scatter [tilespmem:s26], [sflag:$0x9], $0x4000, $0x38;
	[tilespmem:$0x19C00] =	vst v63  }
0xa5: {  	_ =	swait.ge [sflag:s7], $0x4000  }
0xa6: {  	[sflag:s7] =	ssyncset.done $0x0  }
0xa7: {  	[sflag:s7] =	ssyncadd.s32 $0xFFFFC000  }
0xa8: {  	_ =	swait.ge [sflag:s8], $0x4000  }
0xa9: {  	[sflag:s8] =	ssyncset.done $0x0  }
0xaa: {  	s16 =	rddreg [dreg:$0x8];
	[sflag:s8] =	ssyncadd.s32 $0xFFFFC000  }
0xab: {  	[hbm4b:s16+s4] =	stream.linear.scatter [tilespmem:s29], [sflag:$0xA], $0x4000, $0x38;
	[tilespmem:$0x19C00] =	vst v63  }
0xac: {  	_ =	swait.ge [sflag:s9], $0x4000  }
0xad: {  	[sflag:s9] =	ssyncset.done $0x0  }
0xae: {  	[sflag:s9] =	ssyncadd.s32 $0xFFFFC000  }
0xaf: {  	_ =	swait.ge [sflag:s10], $0x4000  }
0xb0: {  	[sflag:s10] =	ssyncset.done $0x0  }
0xb1: {  	s17 =	rddreg [dreg:$0x9];
	[sflag:s10] =	ssyncadd.s32 $0xFFFFC000  }
0xb2: {  	[hbm4b:s17+s4] =	stream.linear.scatter [tilespmem:s31], [sflag:$0xB], $0x4000, $0x38;
	[tilespmem:$0x19C00] =	vst v63  }
0xb3: {  	_ =	swait.ge [sflag:s11], $0x4000  }
0xb4: {  	[sflag:s11] =	ssyncset.done $0x0  }
0xb5: {  	[sflag:s11] =	ssyncadd.s32 $0xFFFFC000  }
0xb6: {  	_ =	swait.ge [sflag:s12], $0x4000  }
0xb7: {  	[sflag:s12] =	ssyncset.done $0x0  }
0xb8: {  	s18 =	rddreg [dreg:$0xa];
	[sflag:s12] =	ssyncadd.s32 $0xFFFFC000  }
0xb9: {  	[hbm4b:s18+s4] =	stream.linear.scatter [tilespmem:s0], [sflag:$0xC], $0x4000, $0x38;
	[tilespmem:$0x19C00] =	vst v63  }
0xba: {  	_ =	swait.ge [sflag:s13], $0x4000  }
0xbb: {  	[sflag:s13] =	ssyncset.done $0x0  }
0xbc: {  	[sflag:s13] =	ssyncadd.s32 $0xFFFFC000  }
0xbd: {  	_ =	swait.ge [sflag:s25], $0x4000  }
0xbe: {  	[sflag:s25] =	ssyncset.done $0x0  }
0xbf: {  	s19 =	rddreg [dreg:$0xb];
	[sflag:s25] =	ssyncadd.s32 $0xFFFFC000  }
0xc0: {  	[hbm4b:s19+s4] =	stream.linear.scatter [tilespmem:s6], [sflag:$0x7], $0x4000, $0x38;
	[tilespmem:$0x19C00] =	vst v63  }
0xc1: {  	_ =	swait.ge [sflag:s28], $0x4000  }
0xc2: {  	[sflag:s28] =	ssyncset.done $0x0  }
0xc3: {  	[sflag:s28] =	ssyncadd.s32 $0xFFFFC000  }
0xc4: {  	_ =	swait.ge [sflag:s30], $0x4000  }
0xc5: {  	[sflag:s30] =	ssyncset.done $0x0  }
0xc6: {  	s21 =	rddreg [dreg:$0xc];
	[sflag:s30] =	ssyncadd.s32 $0xFFFFC000  }
0xc7: {  	[hbm4b:s21+s4] =	stream.linear.scatter [tilespmem:s23], [sflag:$0x8], $0x4000, $0x38;
	[tilespmem:$0x19C00] =	vst v63  }
0xc8: {  	_ =	swait.ge [sflag:s2], $0x4000  }
0xc9: {  	s23 =	rddreg [dreg:$0x14]  }
0xca: {  	s24 =	rddreg [dreg:$0xd];
	s6 =	sadd.s32 $0x1, s23  }
0xcb: {  	p0 =	sne.s32 s6, s24  }
.Ltmp1:
0xcc: {  	_ = 	snop;
	(pc) =	sbr.rel @p0 .LBB2_1-.Ltmp1, $3  }
0xcd: {  	_ =	sdelay $0x1  }
0xce: {  	[sflag:s2] =	ssyncset.done $0x0  }
0xcf: {  	[sflag:s2] =	ssyncadd.s32 $0xFFFFC000  }
0xd0: {  	_ =	sfence.sel $0x180000  }
0xd1: {  	[bflag:$0x0] =	sbarrier.arrive $0xFFFF  }
0xd2: {  	_ =	strace $0x90000047  }
0xd3: {  	s0 =	stileid.u32;
	[bflag:$0x2] =	sbarrier.arrive $0xFFFF  }
0xd4: {  	p0 =	sne.s32 s0, $0x0;
	s0 =	rddreg [dreg:$0x3]  }
0xd5: {  	s0 =	sadd.s32 @!p0 $0x100000, s0  }
0xd6: {  	[sflag:s0] =	ssyncadd.tile.s32 @!p0 $0x1;
	_ =	shalt  }
.Lfunc_end2:
_tile_overlayer_lowered:
.L_overlay_start_2:
0xd7: {  	(tag) =	ssettag $0x2  }
0xd8: {  	s0 =	rddreg [dreg:$0x0];
	s2 =	stileid.u32  }
0xd9: {  	s1 =	rddreg [dreg:$0x1];
	p0 =	sne.s32 s2, $0x0  }
0xda: {  	s3 =	rddreg [dreg:$0x2];
	[bflag:$0x3] =	sbarrier.arrive $0xFFFF;
	s2 =	simm.s32 @!p0 $0x1C0D  }
0xdb: {  	[timem:s3], [sflag:s2] =	dma.local @!p0 [hbm:s0], s1  }
0xdc: {  	s0 =	simm.s32 @!p0 $0xD  }
0xdd: {  	_ =	swait.ge @!p0 [sflag:s0], s1  }
0xde: {  	s1 =	ssub.s32 @!p0 $0x0, s1;
	[sflag:s0] =	ssyncset.done @!p0 $0x0  }
0xdf: {  	[sflag:s0] =	ssyncadd.s32 @!p0 s1  }
0xe0: {  	[bflag:$0x3] =	sbarrier.arrive $0xFFFF  }
0xe1: {  	_ =	shalt  }

</sc_bundles>
